<compile_context>
chip_gen: v7x
topology: tpu7x:2x2x1
jax: 0.10.2.dev20260603
libtpu: 0.0.44.dev20260713+nightly
codegen_flags: <defaults>
</compile_context>

<pallas_src>
import functools

import jax
import jax.numpy as jnp
from jax import lax
from jax.experimental import pallas as pl
from jax.experimental.pallas import tpu as pltpu
from jax.experimental.pallas import tpu_sc as plsc

GROUPS = 1024
GSIZE = 64
N = 16384
RROWS = 128


def _fps_body(x_ref, c_ref):
    B = x_ref.shape[0]
    xs = [[x_ref[b, c] for c in range(3)] for b in range(B)]
    rows = jax.lax.broadcasted_iota(jnp.int32, (RROWS, 128), 0)
    cols = jax.lax.broadcasted_iota(jnp.int32, (RROWS, 128), 1)
    flat = rows * 128 + cols
    crows = jax.lax.broadcasted_iota(jnp.int32, (8, 128), 0)
    ccols = jax.lax.broadcasted_iota(jnp.int32, (8, 128), 1)

    def step(s, carry):
        sm = (crows == s // 128) & (ccols == s % 128)
        out = []
        for b in range(B):
            dist, f, acc = carry[b]
            m = flat == f
            cs = [jnp.sum(jnp.where(m, xs[b][c], 0.0), keepdims=True)
                  for c in range(3)]
            acc = [jnp.where(sm, cs[c], acc[c]) for c in range(3)]
            dd = [xs[b][c] - cs[c] for c in range(3)]
            d = (dd[0] * dd[0] + dd[1] * dd[1]) + dd[2] * dd[2]
            dist = jnp.minimum(dist, d)
            v = jnp.max(dist, keepdims=True)
            f = jnp.min(jnp.where(dist == v, flat, N), keepdims=True)
            out.append((dist, f, acc))
        return tuple(out)

    init = tuple(
        (jnp.full((RROWS, 128), 1e10, dtype=jnp.float32),
         jnp.zeros((1, 1), dtype=jnp.int32),
         [jnp.zeros((8, 128), dtype=jnp.float32) for _ in range(3)])
        for _ in range(B))
    fin = jax.lax.fori_loop(0, GROUPS, step, init)
    for b in range(B):
        for c in range(3):
            c_ref[b, c] = fin[b][2][c]


def _fps_centers(xyz):
    B = xyz.shape[0]
    xg = jnp.transpose(xyz, (0, 2, 1)).reshape(B, 3, RROWS, 128)
    cacc = pl.pallas_call(
        _fps_body,
        out_shape=jax.ShapeDtypeStruct((B, 3, 8, 128), jnp.float32),
    )(xg)
    return jnp.transpose(cacc.reshape(B, 3, GROUPS), (0, 2, 1))


CTILE = 128
NCH = 16
CW = N // NCH


def _knn_body(ct_ref, xt_ref, idx_ref):
    A = ct_ref[0]
    X = xt_ref[0]
    d = -2.0 * jnp.dot(A, X, preferred_element_type=jnp.float32)
    a0, a1, a2 = A[:, 0:1], A[:, 1:2], A[:, 2:3]
    d = d + ((a0 * a0 + a1 * a1) + a2 * a2)
    x0, x1, x2 = X[0:1, :], X[1:2, :], X[2:3, :]
    d = d + ((x0 * x0 + x1 * x1) + x2 * x2)
    d = d.reshape(CTILE, NCH, CW)
    cols0 = (jax.lax.broadcasted_iota(jnp.int32, (CTILE, NCH, CW), 1) * CW
             + jax.lax.broadcasted_iota(jnp.int32, (CTILE, NCH, CW), 2))

    def step(t, carry):
        d, wprev, acc = carry
        cols = cols0
        d = jnp.where(cols == wprev[:, :, None], 3.0e38, d)
        v1 = jnp.min(d, axis=2)
        i1 = jnp.min(jnp.where(d == v1[:, :, None], cols, N), axis=2)
        v = jnp.min(v1, axis=1, keepdims=True)
        w = jnp.min(jnp.where(v1 == v, i1, N), axis=1, keepdims=True)
        t64 = jax.lax.broadcasted_iota(jnp.int32, (CTILE, GSIZE), 1)
        acc = jnp.where(t64 == t, w, acc)
        return d, w, acc

    init = (d, jnp.full((CTILE, 1), -1, dtype=jnp.int32),
            jnp.zeros((CTILE, GSIZE), dtype=jnp.int32))
    _, _, acc = jax.lax.fori_loop(0, GSIZE, step, init)
    idx_ref[0] = acc


def _knn_idx(center, xyz):
    B = xyz.shape[0]
    xt = jnp.transpose(xyz, (0, 2, 1))
    grid = (B, GROUPS // CTILE)
    return pl.pallas_call(
        _knn_body,
        grid=grid,
        in_specs=[
            pl.BlockSpec((1, CTILE, 3), lambda b, g: (b, g, 0)),
            pl.BlockSpec((1, 3, N), lambda b, g: (b, 0, 0)),
        ],
        out_specs=pl.BlockSpec((1, CTILE, GSIZE), lambda b, g: (b, g, 0)),
        out_shape=jax.ShapeDtypeStruct((B, GROUPS, GSIZE), jnp.int32),
    )(center, xt)


NW = 32
CHUNK = 128


def _gather_sub(pts, cen, idx_full, gidx, n_rows):
    rows_per_w = n_rows // NW
    n_chunks = rows_per_w // CHUNK
    mesh = plsc.VectorSubcoreMesh(core_axis_name="c", subcore_axis_name="s")
    fdt = jax.ShapeDtypeStruct((n_rows,), jnp.float32)

    @functools.partial(
        pl.kernel,
        mesh=mesh,
        out_type=(fdt, fdt, fdt),
        scratch_types=[
            pltpu.VMEM((rows_per_w,), jnp.int32),
            pltpu.VMEM((rows_per_w,), jnp.int32),
            pltpu.VMEM((CHUNK,), jnp.float32),
            pltpu.VMEM((CHUNK,), jnp.float32),
            pltpu.VMEM((CHUNK,), jnp.float32),
            pltpu.VMEM((CHUNK,), jnp.float32),
            pltpu.VMEM((CHUNK,), jnp.float32),
            pltpu.VMEM((CHUNK,), jnp.float32),
            pltpu.SemaphoreType.DMA,
        ],
    )
    def gk(xs, ys, zs, cxs, cys, czs, idx_hbm, gidx_hbm,
           ox, oy, oz, idx_v, gidx_v, px, py, pz, qx, qy, qz, sem):
        wid = lax.axis_index("s") * 2 + lax.axis_index("c")
        base = wid * rows_per_w
        pltpu.sync_copy(idx_hbm.at[pl.ds(base, rows_per_w)], idx_v)
        pltpu.sync_copy(gidx_hbm.at[pl.ds(base, rows_per_w)], gidx_v)

        def chunk_body(ci, carry):
            off = ci * CHUNK
            iv = idx_v.at[pl.ds(off, CHUNK)]
            gv = gidx_v.at[pl.ds(off, CHUNK)]
            hs = [pltpu.async_copy(src.at[i], dst, sem)
                  for src, i, dst in ((xs, iv, px), (ys, iv, py), (zs, iv, pz),
                                      (cxs, gv, qx), (cys, gv, qy), (czs, gv, qz))]
            for h in hs:
                h.wait()
            for v in range(CHUNK // 16):
                s = pl.ds(v * 16, 16)
                px[s] = px[s] - qx[s]
                py[s] = py[s] - qy[s]
                pz[s] = pz[s] - qz[s]
            pltpu.sync_copy(px, ox.at[pl.ds(base + off, CHUNK)])
            pltpu.sync_copy(py, oy.at[pl.ds(base + off, CHUNK)])
            pltpu.sync_copy(pz, oz.at[pl.ds(base + off, CHUNK)])
            return carry

        lax.fori_loop(0, n_chunks, chunk_body, 0)

    return gk(pts[0], pts[1], pts[2], cen[0], cen[1], cen[2], idx_full, gidx)


def kernel(xyz):
    B, n, _ = xyz.shape
    center = _fps_centers(xyz)
    idx = _knn_idx(center, xyz)
    idx_base = (jnp.arange(B, dtype=idx.dtype) * n)[:, None, None]
    idx_full = (idx + idx_base).reshape(-1)
    n_rows = B * GROUPS * GSIZE
    gidx = (jnp.arange(n_rows, dtype=jnp.int32) // GSIZE)
    flat = xyz.reshape(B * n, 3)
    cflat = center.reshape(B * GROUPS, 3)
    ox, oy, oz = _gather_sub(
        (flat[:, 0], flat[:, 1], flat[:, 2]),
        (cflat[:, 0], cflat[:, 1], cflat[:, 2]),
        idx_full, gidx, n_rows)
    neighborhood = jnp.stack([ox, oy, oz], axis=-1).reshape(B, GROUPS, GSIZE, 3)
    return (neighborhood, center)

# --- scband reference (transcript-rebuilt; emitter-appended) ---
"""Pipeline reference for scband-group-26104811225234 (READ-ONLY COPY).

The authoritative reference and input builder live on the scoring server;
editing this copy changes nothing except your own understanding.
"""

import jax, jax.numpy as jnp
import numpy as np

GROUP_CONFIG = [(1024, 64)]
USE_COLOR = False


def setup_inputs(seed: int = 0) -> dict:
    key = jax.random.key(seed)
    xyz = jax.random.normal(key, (2, 16384, 3), dtype=jnp.float32)
    return {"xyz": xyz}


def _fps(xyz, n_samples):
    # farthest point sampling; indices are non-differentiable (computed on stop_gradient copy),
    # gradient flows only through the final gather, matching torch fps semantics.
    x = jax.lax.stop_gradient(xyz)
    B, N, _ = x.shape

    def body(carry, _):
        distances, farthest = carry
        centroid = jnp.take_along_axis(
            x, jnp.broadcast_to(farthest[:, None, None], (B, 1, 3)), axis=1)
        d = jnp.sum((x - centroid) ** 2, axis=-1)
        distances = jnp.minimum(distances, d)
        nf = jnp.argmax(distances, axis=-1).astype(jnp.int32)
        return (distances, nf), farthest

    init = (jnp.full((B, N), 1e10, dtype=x.dtype), jnp.zeros((B,), dtype=jnp.int32))
    _, idxs = jax.lax.scan(body, init, None, length=n_samples)
    idxs = jnp.transpose(idxs)  # (B, n_samples)
    centers = jnp.take_along_axis(
        xyz, jnp.broadcast_to(idxs[:, :, None], (B, n_samples, 3)), axis=1)
    return centers


def _square_distance(src, dst):
    dist = -2.0 * jnp.matmul(src, jnp.transpose(dst, (0, 2, 1)))
    dist = dist + jnp.sum(src ** 2, axis=-1)[:, :, None]
    dist = dist + jnp.sum(dst ** 2, axis=-1)[:, None, :]
    return dist


def _knn_point(nsample, xyz, new_xyz):
    sqrdists = _square_distance(new_xyz, xyz)
    # torch.topk(largest=False) == top_k of negated distances
    _, idx = jax.lax.top_k(-sqrdists, nsample)
    return idx


def _forward(xyz):
    neighborhood = None
    center = None
    for (num_group, group_size) in GROUP_CONFIG:
        B, N, _ = xyz.shape
        center = _fps(xyz, num_group)
        if group_size > 1:
            idx = _knn_point(group_size, xyz, center)  # (B, G, M)
            idx_base = (jnp.arange(B, dtype=idx.dtype) * N)[:, None, None]
            idx_full = (idx + idx_base).reshape(-1)
            flat = xyz.reshape(B * N, 3)
            neighborhood = flat[idx_full].reshape(B, num_group, group_size, 3)
            neighborhood = neighborhood - center[:, :, None, :]
        xyz = center
    return (neighborhood, center)


def reference(xyz):
    return _forward(xyz)

if __name__ == "__main__":
    import jax
    _d = setup_inputs()
    print(jax.jit(kernel)(*tuple(_d.values())))

</pallas_src>

<mosaic_0001>
#map = affine_map<(d0, d1) -> (0)>
module attributes {stable_mosaic.version = 14 : i64} {
  func.func @gk(%arg0: i32, %arg1: i32, %arg2: memref<32768xf32, #tpu.memory_space<hbm>>, %arg3: memref<32768xf32, #tpu.memory_space<hbm>>, %arg4: memref<32768xf32, #tpu.memory_space<hbm>>, %arg5: memref<2048xf32, #tpu.memory_space<hbm>>, %arg6: memref<2048xf32, #tpu.memory_space<hbm>>, %arg7: memref<2048xf32, #tpu.memory_space<hbm>>, %arg8: memref<131072xi32, #tpu.memory_space<hbm>>, %arg9: memref<131072xi32, #tpu.memory_space<hbm>>, %arg10: memref<131072xf32, #tpu.memory_space<hbm>>, %arg11: memref<131072xf32, #tpu.memory_space<hbm>>, %arg12: memref<131072xf32, #tpu.memory_space<hbm>>, %arg13: memref<4096xi32, #tpu.memory_space<vmem>>, %arg14: memref<4096xi32, #tpu.memory_space<vmem>>, %arg15: memref<128xf32, #tpu.memory_space<vmem>>, %arg16: memref<128xf32, #tpu.memory_space<vmem>>, %arg17: memref<128xf32, #tpu.memory_space<vmem>>, %arg18: memref<128xf32, #tpu.memory_space<vmem>>, %arg19: memref<128xf32, #tpu.memory_space<vmem>>, %arg20: memref<128xf32, #tpu.memory_space<vmem>>, %arg21: memref<!tpu.dma_semaphore, #tpu.memory_space<semaphore_mem>>) attributes {dimension_semantics = [#tpu.dimension_semantics<core_parallel>, #tpu.dimension_semantics<subcore_parallel>], iteration_bounds = array<i64: 2, 16>, scalar_prefetch = 0 : i64, scratch_operands = 9 : i64, tpu.core_type = #tpu.core_type<sc_vector_subcore>, window_params = [{transform_indices = #map}, {transform_indices = #map}, {transform_indices = #map}, {transform_indices = #map}, {transform_indices = #map}, {transform_indices = #map}, {transform_indices = #map}, {transform_indices = #map}, {transform_indices = #map}, {transform_indices = #map}, {transform_indices = #map}]} {
    %mul3A = arith.constant 2 : i32
    %mul3A_0 = arith.muli %arg1, %mul3A : i32
    %add3A = arith.addi %mul3A_0, %arg0 : i32
    %mul3A_1 = arith.constant 4096 : i32
    %mul3A_2 = arith.muli %add3A, %mul3A_1 : i32
    "tpu.region"() ({
      %run_scoped3A = tpu.sem_alloc : memref<!tpu.dma_semaphore, #tpu.memory_space<semaphore_mem>>
      %dma_start3A = tpu.memref_slice %arg8[%mul3A_2] : memref<131072xi32, #tpu.memory_space<hbm>> -> memref<4096xi32, #tpu.memory_space<hbm>>
      %dma_start3A_8 = tpu.memref_slice %arg8[%mul3A_2] : memref<131072xi32, #tpu.memory_space<hbm>> -> memref<4096xi32, #tpu.memory_space<hbm>>
      tpu.enqueue_dma source(%dma_start3A_8 : memref<4096xi32, #tpu.memory_space<hbm>>) target(%arg13 : memref<4096xi32, #tpu.memory_space<vmem>>) target_semaphore(%run_scoped3A : memref<!tpu.dma_semaphore, #tpu.memory_space<semaphore_mem>>)
      %dma_wait3A = tpu.memref_slice %arg8[%mul3A_2] : memref<131072xi32, #tpu.memory_space<hbm>> -> memref<4096xi32, #tpu.memory_space<hbm>>
      %dma_wait3A_9 = tpu.memref_slice %arg8[%mul3A_2] : memref<131072xi32, #tpu.memory_space<hbm>> -> memref<4096xi32, #tpu.memory_space<hbm>>
      tpu.wait_dma2 semaphore(%run_scoped3A : memref<!tpu.dma_semaphore, #tpu.memory_space<semaphore_mem>>) src(%dma_wait3A_9 : memref<4096xi32, #tpu.memory_space<hbm>>) dst(%arg13 : memref<4096xi32, #tpu.memory_space<vmem>>)
      tpu.yield
    }) : () -> ()
    "tpu.region"() ({
      %run_scoped3A = tpu.sem_alloc : memref<!tpu.dma_semaphore, #tpu.memory_space<semaphore_mem>>
      %dma_start3A = tpu.memref_slice %arg9[%mul3A_2] : memref<131072xi32, #tpu.memory_space<hbm>> -> memref<4096xi32, #tpu.memory_space<hbm>>
      %dma_start3A_8 = tpu.memref_slice %arg9[%mul3A_2] : memref<131072xi32, #tpu.memory_space<hbm>> -> memref<4096xi32, #tpu.memory_space<hbm>>
      tpu.enqueue_dma source(%dma_start3A_8 : memref<4096xi32, #tpu.memory_space<hbm>>) target(%arg14 : memref<4096xi32, #tpu.memory_space<vmem>>) target_semaphore(%run_scoped3A : memref<!tpu.dma_semaphore, #tpu.memory_space<semaphore_mem>>)
      %dma_wait3A = tpu.memref_slice %arg9[%mul3A_2] : memref<131072xi32, #tpu.memory_space<hbm>> -> memref<4096xi32, #tpu.memory_space<hbm>>
      %dma_wait3A_9 = tpu.memref_slice %arg9[%mul3A_2] : memref<131072xi32, #tpu.memory_space<hbm>> -> memref<4096xi32, #tpu.memory_space<hbm>>
      tpu.wait_dma2 semaphore(%run_scoped3A : memref<!tpu.dma_semaphore, #tpu.memory_space<semaphore_mem>>) src(%dma_wait3A_9 : memref<4096xi32, #tpu.memory_space<hbm>>) dst(%arg14 : memref<4096xi32, #tpu.memory_space<vmem>>)
      tpu.yield
    }) : () -> ()
    %scan3A = arith.constant 0 : i32
    %scan3A_3 = arith.constant 0 : i32
    %scan3A_4 = arith.constant 32 : i32
    %scan3A_5 = arith.addi %scan3A_3, %scan3A_4 : i32
    %scan3A_6 = arith.constant 1 : i32
    scf.for %scan3A_8 = %scan3A_3 to %scan3A_5 step %scan3A_6  : i32 {
      %mul3A_9 = arith.constant 128 : i32
      %mul3A_10 = arith.muli %scan3A_8, %mul3A_9 : i32
      %dma_start3A = tpu.memref_slice %arg13[%mul3A_10] : memref<4096xi32, #tpu.memory_space<vmem>> -> memref<128xi32, #tpu.memory_space<vmem>>
      %dma_start3A_11 = arith.constant 0 : i32
      %dma_start3A_12 = tpu.memref_slice %arg2[%dma_start3A_11] : memref<32768xf32, #tpu.memory_space<hbm>> -> memref<32768xf32, #tpu.memory_space<hbm>>
      tpu.enqueue_indirect_dma source(%dma_start3A_12 : memref<32768xf32, #tpu.memory_space<hbm>>) target(%arg15 : memref<128xf32, #tpu.memory_space<vmem>>) offsets(%dma_start3A : memref<128xi32, #tpu.memory_space<vmem>>) semaphore(%arg21 : memref<!tpu.dma_semaphore, #tpu.memory_space<semaphore_mem>>)
      %dma_start3A_13 = tpu.memref_slice %arg13[%mul3A_10] : memref<4096xi32, #tpu.memory_space<vmem>> -> memref<128xi32, #tpu.memory_space<vmem>>
      %dma_start3A_14 = arith.constant 0 : i32
      %dma_start3A_15 = tpu.memref_slice %arg3[%dma_start3A_14] : memref<32768xf32, #tpu.memory_space<hbm>> -> memref<32768xf32, #tpu.memory_space<hbm>>
      tpu.enqueue_indirect_dma source(%dma_start3A_15 : memref<32768xf32, #tpu.memory_space<hbm>>) target(%arg16 : memref<128xf32, #tpu.memory_space<vmem>>) offsets(%dma_start3A_13 : memref<128xi32, #tpu.memory_space<vmem>>) semaphore(%arg21 : memref<!tpu.dma_semaphore, #tpu.memory_space<semaphore_mem>>)
      %dma_start3A_16 = tpu.memref_slice %arg13[%mul3A_10] : memref<4096xi32, #tpu.memory_space<vmem>> -> memref<128xi32, #tpu.memory_space<vmem>>
      %dma_start3A_17 = arith.constant 0 : i32
      %dma_start3A_18 = tpu.memref_slice %arg4[%dma_start3A_17] : memref<32768xf32, #tpu.memory_space<hbm>> -> memref<32768xf32, #tpu.memory_space<hbm>>
      tpu.enqueue_indirect_dma source(%dma_start3A_18 : memref<32768xf32, #tpu.memory_space<hbm>>) target(%arg17 : memref<128xf32, #tpu.memory_space<vmem>>) offsets(%dma_start3A_16 : memref<128xi32, #tpu.memory_space<vmem>>) semaphore(%arg21 : memref<!tpu.dma_semaphore, #tpu.memory_space<semaphore_mem>>)
      %dma_start3A_19 = tpu.memref_slice %arg14[%mul3A_10] : memref<4096xi32, #tpu.memory_space<vmem>> -> memref<128xi32, #tpu.memory_space<vmem>>
      %dma_start3A_20 = arith.constant 0 : i32
      %dma_start3A_21 = tpu.memref_slice %arg5[%dma_start3A_20] : memref<2048xf32, #tpu.memory_space<hbm>> -> memref<2048xf32, #tpu.memory_space<hbm>>
      tpu.enqueue_indirect_dma source(%dma_start3A_21 : memref<2048xf32, #tpu.memory_space<hbm>>) target(%arg18 : memref<128xf32, #tpu.memory_space<vmem>>) offsets(%dma_start3A_19 : memref<128xi32, #tpu.memory_space<vmem>>) semaphore(%arg21 : memref<!tpu.dma_semaphore, #tpu.memory_space<semaphore_mem>>)
      %dma_start3A_22 = tpu.memref_slice %arg14[%mul3A_10] : memref<4096xi32, #tpu.memory_space<vmem>> -> memref<128xi32, #tpu.memory_space<vmem>>
      %dma_start3A_23 = arith.constant 0 : i32
      %dma_start3A_24 = tpu.memref_slice %arg6[%dma_start3A_23] : memref<2048xf32, #tpu.memory_space<hbm>> -> memref<2048xf32, #tpu.memory_space<hbm>>
      tpu.enqueue_indirect_dma source(%dma_start3A_24 : memref<2048xf32, #tpu.memory_space<hbm>>) target(%arg19 : memref<128xf32, #tpu.memory_space<vmem>>) offsets(%dma_start3A_22 : memref<128xi32, #tpu.memory_space<vmem>>) semaphore(%arg21 : memref<!tpu.dma_semaphore, #tpu.memory_space<semaphore_mem>>)
      %dma_start3A_25 = tpu.memref_slice %arg14[%mul3A_10] : memref<4096xi32, #tpu.memory_space<vmem>> -> memref<128xi32, #tpu.memory_space<vmem>>
      %dma_start3A_26 = arith.constant 0 : i32
      %dma_start3A_27 = tpu.memref_slice %arg7[%dma_start3A_26] : memref<2048xf32, #tpu.memory_space<hbm>> -> memref<2048xf32, #tpu.memory_space<hbm>>
      tpu.enqueue_indirect_dma source(%dma_start3A_27 : memref<2048xf32, #tpu.memory_space<hbm>>) target(%arg20 : memref<128xf32, #tpu.memory_space<vmem>>) offsets(%dma_start3A_25 : memref<128xi32, #tpu.memory_space<vmem>>) semaphore(%arg21 : memref<!tpu.dma_semaphore, #tpu.memory_space<semaphore_mem>>)
      %dma_wait3A = tpu.memref_slice %arg13[%mul3A_10] : memref<4096xi32, #tpu.memory_space<vmem>> -> memref<128xi32, #tpu.memory_space<vmem>>
      %dma_wait3A_28 = arith.constant 0 : i32
      %dma_wait3A_29 = tpu.memref_slice %arg2[%dma_wait3A_28] : memref<32768xf32, #tpu.memory_space<hbm>> -> memref<32768xf32, #tpu.memory_space<hbm>>
      tpu.wait_indirect_dma semaphore(%arg21 : memref<!tpu.dma_semaphore, #tpu.memory_space<semaphore_mem>>) src(%dma_wait3A_29 : memref<32768xf32, #tpu.memory_space<hbm>>) dst(%arg15 : memref<128xf32, #tpu.memory_space<vmem>>)
      %dma_wait3A_30 = tpu.memref_slice %arg13[%mul3A_10] : memref<4096xi32, #tpu.memory_space<vmem>> -> memref<128xi32, #tpu.memory_space<vmem>>
      %dma_wait3A_31 = arith.constant 0 : i32
      %dma_wait3A_32 = tpu.memref_slice %arg3[%dma_wait3A_31] : memref<32768xf32, #tpu.memory_space<hbm>> -> memref<32768xf32, #tpu.memory_space<hbm>>
      tpu.wait_indirect_dma semaphore(%arg21 : memref<!tpu.dma_semaphore, #tpu.memory_space<semaphore_mem>>) src(%dma_wait3A_32 : memref<32768xf32, #tpu.memory_space<hbm>>) dst(%arg16 : memref<128xf32, #tpu.memory_space<vmem>>)
      %dma_wait3A_33 = tpu.memref_slice %arg13[%mul3A_10] : memref<4096xi32, #tpu.memory_space<vmem>> -> memref<128xi32, #tpu.memory_space<vmem>>
      %dma_wait3A_34 = arith.constant 0 : i32
      %dma_wait3A_35 = tpu.memref_slice %arg4[%dma_wait3A_34] : memref<32768xf32, #tpu.memory_space<hbm>> -> memref<32768xf32, #tpu.memory_space<hbm>>
      tpu.wait_indirect_dma semaphore(%arg21 : memref<!tpu.dma_semaphore, #tpu.memory_space<semaphore_mem>>) src(%dma_wait3A_35 : memref<32768xf32, #tpu.memory_space<hbm>>) dst(%arg17 : memref<128xf32, #tpu.memory_space<vmem>>)
      %dma_wait3A_36 = tpu.memref_slice %arg14[%mul3A_10] : memref<4096xi32, #tpu.memory_space<vmem>> -> memref<128xi32, #tpu.memory_space<vmem>>
      %dma_wait3A_37 = arith.constant 0 : i32
      %dma_wait3A_38 = tpu.memref_slice %arg5[%dma_wait3A_37] : memref<2048xf32, #tpu.memory_space<hbm>> -> memref<2048xf32, #tpu.memory_space<hbm>>
      tpu.wait_indirect_dma semaphore(%arg21 : memref<!tpu.dma_semaphore, #tpu.memory_space<semaphore_mem>>) src(%dma_wait3A_38 : memref<2048xf32, #tpu.memory_space<hbm>>) dst(%arg18 : memref<128xf32, #tpu.memory_space<vmem>>)
      %dma_wait3A_39 = tpu.memref_slice %arg14[%mul3A_10] : memref<4096xi32, #tpu.memory_space<vmem>> -> memref<128xi32, #tpu.memory_space<vmem>>
      %dma_wait3A_40 = arith.constant 0 : i32
      %dma_wait3A_41 = tpu.memref_slice %arg6[%dma_wait3A_40] : memref<2048xf32, #tpu.memory_space<hbm>> -> memref<2048xf32, #tpu.memory_space<hbm>>
      tpu.wait_indirect_dma semaphore(%arg21 : memref<!tpu.dma_semaphore, #tpu.memory_space<semaphore_mem>>) src(%dma_wait3A_41 : memref<2048xf32, #tpu.memory_space<hbm>>) dst(%arg19 : memref<128xf32, #tpu.memory_space<vmem>>)
      %dma_wait3A_42 = tpu.memref_slice %arg14[%mul3A_10] : memref<4096xi32, #tpu.memory_space<vmem>> -> memref<128xi32, #tpu.memory_space<vmem>>
      %dma_wait3A_43 = arith.constant 0 : i32
      %dma_wait3A_44 = tpu.memref_slice %arg7[%dma_wait3A_43] : memref<2048xf32, #tpu.memory_space<hbm>> -> memref<2048xf32, #tpu.memory_space<hbm>>
      tpu.wait_indirect_dma semaphore(%arg21 : memref<!tpu.dma_semaphore, #tpu.memory_space<semaphore_mem>>) src(%dma_wait3A_44 : memref<2048xf32, #tpu.memory_space<hbm>>) dst(%arg20 : memref<128xf32, #tpu.memory_space<vmem>>)
      %get3A = arith.constant 0 : index
      %get3A_45 = tpu.vector_load %arg15[%get3A] {strides = array<i32>} : memref<128xf32, #tpu.memory_space<vmem>>, vector<16xf32>,
      %get3A_46 = vector.shape_cast %get3A_45 : vector<16xf32> to vector<16xf32>
      %get3A_47 = arith.constant 0 : index
      %get3A_48 = tpu.vector_load %arg18[%get3A_47] {strides = array<i32>} : memref<128xf32, #tpu.memory_space<vmem>>, vector<16xf32>,
      %get3A_49 = vector.shape_cast %get3A_48 : vector<16xf32> to vector<16xf32>
      %sub3A = arith.subf %get3A_46, %get3A_49 : vector<16xf32>
      %swap3A = arith.constant 0 : index
      %swap3A_50 = tpu.vector_load %arg15[%swap3A] {strides = array<i32>} : memref<128xf32, #tpu.memory_space<vmem>>, vector<16xf32>,
      %swap3A_51 = vector.shape_cast %swap3A_50 : vector<16xf32> to vector<16xf32>
      %swap3A_52 = vector.shape_cast %sub3A : vector<16xf32> to vector<16xf32>
      tpu.vector_store %arg15[%swap3A], %swap3A_52 {strides = array<i32>} : memref<128xf32, #tpu.memory_space<vmem>>, vector<16xf32>,
      %get3A_53 = arith.constant 0 : index
      %get3A_54 = tpu.vector_load %arg16[%get3A_53] {strides = array<i32>} : memref<128xf32, #tpu.memory_space<vmem>>, vector<16xf32>,
      %get3A_55 = vector.shape_cast %get3A_54 : vector<16xf32> to vector<16xf32>
      %get3A_56 = arith.constant 0 : index
      %get3A_57 = tpu.vector_load %arg19[%get3A_56] {strides = array<i32>} : memref<128xf32, #tpu.memory_space<vmem>>, vector<16xf32>,
      %get3A_58 = vector.shape_cast %get3A_57 : vector<16xf32> to vector<16xf32>
      %sub3A_59 = arith.subf %get3A_55, %get3A_58 : vector<16xf32>
      %swap3A_60 = arith.constant 0 : index
      %swap3A_61 = tpu.vector_load %arg16[%swap3A_60] {strides = array<i32>} : memref<128xf32, #tpu.memory_space<vmem>>, vector<16xf32>,
      %swap3A_62 = vector.shape_cast %swap3A_61 : vector<16xf32> to vector<16xf32>
      %swap3A_63 = vector.shape_cast %sub3A_59 : vector<16xf32> to vector<16xf32>
      tpu.vector_store %arg16[%swap3A_60], %swap3A_63 {strides = array<i32>} : memref<128xf32, #tpu.memory_space<vmem>>, vector<16xf32>,
      %get3A_64 = arith.constant 0 : index
      %get3A_65 = tpu.vector_load %arg17[%get3A_64] {strides = array<i32>} : memref<128xf32, #tpu.memory_space<vmem>>, vector<16xf32>,
      %get3A_66 = vector.shape_cast %get3A_65 : vector<16xf32> to vector<16xf32>
      %get3A_67 = arith.constant 0 : index
      %get3A_68 = tpu.vector_load %arg20[%get3A_67] {strides = array<i32>} : memref<128xf32, #tpu.memory_space<vmem>>, vector<16xf32>,
      %get3A_69 = vector.shape_cast %get3A_68 : vector<16xf32> to vector<16xf32>
      %sub3A_70 = arith.subf %get3A_66, %get3A_69 : vector<16xf32>
      %swap3A_71 = arith.constant 0 : index
      %swap3A_72 = tpu.vector_load %arg17[%swap3A_71] {strides = array<i32>} : memref<128xf32, #tpu.memory_space<vmem>>, vector<16xf32>,
      %swap3A_73 = vector.shape_cast %swap3A_72 : vector<16xf32> to vector<16xf32>
      %swap3A_74 = vector.shape_cast %sub3A_70 : vector<16xf32> to vector<16xf32>
      tpu.vector_store %arg17[%swap3A_71], %swap3A_74 {strides = array<i32>} : memref<128xf32, #tpu.memory_space<vmem>>, vector<16xf32>,
      %get3A_75 = arith.constant 16 : index
      %get3A_76 = tpu.vector_load %arg15[%get3A_75] {strides = array<i32>} : memref<128xf32, #tpu.memory_space<vmem>>, vector<16xf32>,
      %get3A_77 = vector.shape_cast %get3A_76 : vector<16xf32> to vector<16xf32>
      %get3A_78 = arith.constant 16 : index
      %get3A_79 = tpu.vector_load %arg18[%get3A_78] {strides = array<i32>} : memref<128xf32, #tpu.memory_space<vmem>>, vector<16xf32>,
      %get3A_80 = vector.shape_cast %get3A_79 : vector<16xf32> to vector<16xf32>
      %sub3A_81 = arith.subf %get3A_77, %get3A_80 : vector<16xf32>
      %swap3A_82 = arith.constant 16 : index
      %swap3A_83 = tpu.vector_load %arg15[%swap3A_82] {strides = array<i32>} : memref<128xf32, #tpu.memory_space<vmem>>, vector<16xf32>,
      %swap3A_84 = vector.shape_cast %swap3A_83 : vector<16xf32> to vector<16xf32>
      %swap3A_85 = vector.shape_cast %sub3A_81 : vector<16xf32> to vector<16xf32>
      tpu.vector_store %arg15[%swap3A_82], %swap3A_85 {strides = array<i32>} : memref<128xf32, #tpu.memory_space<vmem>>, vector<16xf32>,
      %get3A_86 = arith.constant 16 : index
      %get3A_87 = tpu.vector_load %arg16[%get3A_86] {strides = array<i32>} : memref<128xf32, #tpu.memory_space<vmem>>, vector<16xf32>,
      %get3A_88 = vector.shape_cast %get3A_87 : vector<16xf32> to vector<16xf32>
      %get3A_89 = arith.constant 16 : index
      %get3A_90 = tpu.vector_load %arg19[%get3A_89] {strides = array<i32>} : memref<128xf32, #tpu.memory_space<vmem>>, vector<16xf32>,
      %get3A_91 = vector.shape_cast %get3A_90 : vector<16xf32> to vector<16xf32>
      %sub3A_92 = arith.subf %get3A_88, %get3A_91 : vector<16xf32>
      %swap3A_93 = arith.constant 16 : index
      %swap3A_94 = tpu.vector_load %arg16[%swap3A_93] {strides = array<i32>} : memref<128xf32, #tpu.memory_space<vmem>>, vector<16xf32>,
      %swap3A_95 = vector.shape_cast %swap3A_94 : vector<16xf32> to vector<16xf32>
      %swap3A_96 = vector.shape_cast %sub3A_92 : vector<16xf32> to vector<16xf32>
      tpu.vector_store %arg16[%swap3A_93], %swap3A_96 {strides = array<i32>} : memref<128xf32, #tpu.memory_space<vmem>>, vector<16xf32>,
      %get3A_97 = arith.constant 16 : index
      %get3A_98 = tpu.vector_load %arg17[%get3A_97] {strides = array<i32>} : memref<128xf32, #tpu.memory_space<vmem>>, vector<16xf32>,
      %get3A_99 = vector.shape_cast %get3A_98 : vector<16xf32> to vector<16xf32>
      %get3A_100 = arith.constant 16 : index
      %get3A_101 = tpu.vector_load %arg20[%get3A_100] {strides = array<i32>} : memref<128xf32, #tpu.memory_space<vmem>>, vector<16xf32>,
      %get3A_102 = vector.shape_cast %get3A_101 : vector<16xf32> to vector<16xf32>
      %sub3A_103 = arith.subf %get3A_99, %get3A_102 : vector<16xf32>
      %swap3A_104 = arith.constant 16 : index
      %swap3A_105 = tpu.vector_load %arg17[%swap3A_104] {strides = array<i32>} : memref<128xf32, #tpu.memory_space<vmem>>, vector<16xf32>,
      %swap3A_106 = vector.shape_cast %swap3A_105 : vector<16xf32> to vector<16xf32>
      %swap3A_107 = vector.shape_cast %sub3A_103 : vector<16xf32> to vector<16xf32>
      tpu.vector_store %arg17[%swap3A_104], %swap3A_107 {strides = array<i32>} : memref<128xf32, #tpu.memory_space<vmem>>, vector<16xf32>,
      %get3A_108 = arith.constant 32 : index
      %get3A_109 = tpu.vector_load %arg15[%get3A_108] {strides = array<i32>} : memref<128xf32, #tpu.memory_space<vmem>>, vector<16xf32>,
      %get3A_110 = vector.shape_cast %get3A_109 : vector<16xf32> to vector<16xf32>
      %get3A_111 = arith.constant 32 : index
      %get3A_112 = tpu.vector_load %arg18[%get3A_111] {strides = array<i32>} : memref<128xf32, #tpu.memory_space<vmem>>, vector<16xf32>,
      %get3A_113 = vector.shape_cast %get3A_112 : vector<16xf32> to vector<16xf32>
      %sub3A_114 = arith.subf %get3A_110, %get3A_113 : vector<16xf32>
      %swap3A_115 = arith.constant 32 : index
      %swap3A_116 = tpu.vector_load %arg15[%swap3A_115] {strides = array<i32>} : memref<128xf32, #tpu.memory_space<vmem>>, vector<16xf32>,
      %swap3A_117 = vector.shape_cast %swap3A_116 : vector<16xf32> to vector<16xf32>
      %swap3A_118 = vector.shape_cast %sub3A_114 : vector<16xf32> to vector<16xf32>
      tpu.vector_store %arg15[%swap3A_115], %swap3A_118 {strides = array<i32>} : memref<128xf32, #tpu.memory_space<vmem>>, vector<16xf32>,
      %get3A_119 = arith.constant 32 : index
      %get3A_120 = tpu.vector_load %arg16[%get3A_119] {strides = array<i32>} : memref<128xf32, #tpu.memory_space<vmem>>, vector<16xf32>,
      %get3A_121 = vector.shape_cast %get3A_120 : vector<16xf32> to vector<16xf32>
      %get3A_122 = arith.constant 32 : index
      %get3A_123 = tpu.vector_load %arg19[%get3A_122] {strides = array<i32>} : memref<128xf32, #tpu.memory_space<vmem>>, vector<16xf32>,
      %get3A_124 = vector.shape_cast %get3A_123 : vector<16xf32> to vector<16xf32>
      %sub3A_125 = arith.subf %get3A_121, %get3A_124 : vector<16xf32>
      %swap3A_126 = arith.constant 32 : index
      %swap3A_127 = tpu.vector_load %arg16[%swap3A_126] {strides = array<i32>} : memref<128xf32, #tpu.memory_space<vmem>>, vector<16xf32>,
      %swap3A_128 = vector.shape_cast %swap3A_127 : vector<16xf32> to vector<16xf32>
      %swap3A_129 = vector.shape_cast %sub3A_125 : vector<16xf32> to vector<16xf32>
      tpu.vector_store %arg16[%swap3A_126], %swap3A_129 {strides = array<i32>} : memref<128xf32, #tpu.memory_space<vmem>>, vector<16xf32>,
      %get3A_130 = arith.constant 32 : index
      %get3A_131 = tpu.vector_load %arg17[%get3A_130] {strides = array<i32>} : memref<128xf32, #tpu.memory_space<vmem>>, vector<16xf32>,
      %get3A_132 = vector.shape_cast %get3A_131 : vector<16xf32> to vector<16xf32>
      %get3A_133 = arith.constant 32 : index
      %get3A_134 = tpu.vector_load %arg20[%get3A_133] {strides = array<i32>} : memref<128xf32, #tpu.memory_space<vmem>>, vector<16xf32>,
      %get3A_135 = vector.shape_cast %get3A_134 : vector<16xf32> to vector<16xf32>
      %sub3A_136 = arith.subf %get3A_132, %get3A_135 : vector<16xf32>
      %swap3A_137 = arith.constant 32 : index
      %swap3A_138 = tpu.vector_load %arg17[%swap3A_137] {strides = array<i32>} : memref<128xf32, #tpu.memory_space<vmem>>, vector<16xf32>,
      %swap3A_139 = vector.shape_cast %swap3A_138 : vector<16xf32> to vector<16xf32>
      %swap3A_140 = vector.shape_cast %sub3A_136 : vector<16xf32> to vector<16xf32>
      tpu.vector_store %arg17[%swap3A_137], %swap3A_140 {strides = array<i32>} : memref<128xf32, #tpu.memory_space<vmem>>, vector<16xf32>,
      %get3A_141 = arith.constant 48 : index
      %get3A_142 = tpu.vector_load %arg15[%get3A_141] {strides = array<i32>} : memref<128xf32, #tpu.memory_space<vmem>>, vector<16xf32>,
      %get3A_143 = vector.shape_cast %get3A_142 : vector<16xf32> to vector<16xf32>
      %get3A_144 = arith.constant 48 : index
      %get3A_145 = tpu.vector_load %arg18[%get3A_144] {strides = array<i32>} : memref<128xf32, #tpu.memory_space<vmem>>, vector<16xf32>,
      %get3A_146 = vector.shape_cast %get3A_145 : vector<16xf32> to vector<16xf32>
      %sub3A_147 = arith.subf %get3A_143, %get3A_146 : vector<16xf32>
      %swap3A_148 = arith.constant 48 : index
      %swap3A_149 = tpu.vector_load %arg15[%swap3A_148] {strides = array<i32>} : memref<128xf32, #tpu.memory_space<vmem>>, vector<16xf32>,
      %swap3A_150 = vector.shape_cast %swap3A_149 : vector<16xf32> to vector<16xf32>
      %swap3A_151 = vector.shape_cast %sub3A_147 : vector<16xf32> to vector<16xf32>
      tpu.vector_store %arg15[%swap3A_148], %swap3A_151 {strides = array<i32>} : memref<128xf32, #tpu.memory_space<vmem>>, vector<16xf32>,
      %get3A_152 = arith.constant 48 : index
      %get3A_153 = tpu.vector_load %arg16[%get3A_152] {strides = array<i32>} : memref<128xf32, #tpu.memory_space<vmem>>, vector<16xf32>,
      %get3A_154 = vector.shape_cast %get3A_153 : vector<16xf32> to vector<16xf32>
      %get3A_155 = arith.constant 48 : index
      %get3A_156 = tpu.vector_load %arg19[%get3A_155] {strides = array<i32>} : memref<128xf32, #tpu.memory_space<vmem>>, vector<16xf32>,
      %get3A_157 = vector.shape_cast %get3A_156 : vector<16xf32> to vector<16xf32>
      %sub3A_158 = arith.subf %get3A_154, %get3A_157 : vector<16xf32>
      %swap3A_159 = arith.constant 48 : index
      %swap3A_160 = tpu.vector_load %arg16[%swap3A_159] {strides = array<i32>} : memref<128xf32, #tpu.memory_space<vmem>>, vector<16xf32>,
      %swap3A_161 = vector.shape_cast %swap3A_160 : vector<16xf32> to vector<16xf32>
      %swap3A_162 = vector.shape_cast %sub3A_158 : vector<16xf32> to vector<16xf32>
      tpu.vector_store %arg16[%swap3A_159], %swap3A_162 {strides = array<i32>} : memref<128xf32, #tpu.memory_space<vmem>>, vector<16xf32>,
      %get3A_163 = arith.constant 48 : index
      %get3A_164 = tpu.vector_load %arg17[%get3A_163] {strides = array<i32>} : memref<128xf32, #tpu.memory_space<vmem>>, vector<16xf32>,
      %get3A_165 = vector.shape_cast %get3A_164 : vector<16xf32> to vector<16xf32>
      %get3A_166 = arith.constant 48 : index
      %get3A_167 = tpu.vector_load %arg20[%get3A_166] {strides = array<i32>} : memref<128xf32, #tpu.memory_space<vmem>>, vector<16xf32>,
      %get3A_168 = vector.shape_cast %get3A_167 : vector<16xf32> to vector<16xf32>
      %sub3A_169 = arith.subf %get3A_165, %get3A_168 : vector<16xf32>
      %swap3A_170 = arith.constant 48 : index
      %swap3A_171 = tpu.vector_load %arg17[%swap3A_170] {strides = array<i32>} : memref<128xf32, #tpu.memory_space<vmem>>, vector<16xf32>,
      %swap3A_172 = vector.shape_cast %swap3A_171 : vector<16xf32> to vector<16xf32>
      %swap3A_173 = vector.shape_cast %sub3A_169 : vector<16xf32> to vector<16xf32>
      tpu.vector_store %arg17[%swap3A_170], %swap3A_173 {strides = array<i32>} : memref<128xf32, #tpu.memory_space<vmem>>, vector<16xf32>,
      %get3A_174 = arith.constant 64 : index
      %get3A_175 = tpu.vector_load %arg15[%get3A_174] {strides = array<i32>} : memref<128xf32, #tpu.memory_space<vmem>>, vector<16xf32>,
      %get3A_176 = vector.shape_cast %get3A_175 : vector<16xf32> to vector<16xf32>
      %get3A_177 = arith.constant 64 : index
      %get3A_178 = tpu.vector_load %arg18[%get3A_177] {strides = array<i32>} : memref<128xf32, #tpu.memory_space<vmem>>, vector<16xf32>,
      %get3A_179 = vector.shape_cast %get3A_178 : vector<16xf32> to vector<16xf32>
      %sub3A_180 = arith.subf %get3A_176, %get3A_179 : vector<16xf32>
      %swap3A_181 = arith.constant 64 : index
      %swap3A_182 = tpu.vector_load %arg15[%swap3A_181] {strides = array<i32>} : memref<128xf32, #tpu.memory_space<vmem>>, vector<16xf32>,
      %swap3A_183 = vector.shape_cast %swap3A_182 : vector<16xf32> to vector<16xf32>
      %swap3A_184 = vector.shape_cast %sub3A_180 : vector<16xf32> to vector<16xf32>
      tpu.vector_store %arg15[%swap3A_181], %swap3A_184 {strides = array<i32>} : memref<128xf32, #tpu.memory_space<vmem>>, vector<16xf32>,
      %get3A_185 = arith.constant 64 : index
      %get3A_186 = tpu.vector_load %arg16[%get3A_185] {strides = array<i32>} : memref<128xf32, #tpu.memory_space<vmem>>, vector<16xf32>,
      %get3A_187 = vector.shape_cast %get3A_186 : vector<16xf32> to vector<16xf32>
      %get3A_188 = arith.constant 64 : index
      %get3A_189 = tpu.vector_load %arg19[%get3A_188] {strides = array<i32>} : memref<128xf32, #tpu.memory_space<vmem>>, vector<16xf32>,
      %get3A_190 = vector.shape_cast %get3A_189 : vector<16xf32> to vector<16xf32>
      %sub3A_191 = arith.subf %get3A_187, %get3A_190 : vector<16xf32>
      %swap3A_192 = arith.constant 64 : index
      %swap3A_193 = tpu.vector_load %arg16[%swap3A_192] {strides = array<i32>} : memref<128xf32, #tpu.memory_space<vmem>>, vector<16xf32>,
      %swap3A_194 = vector.shape_cast %swap3A_193 : vector<16xf32> to vector<16xf32>
      %swap3A_195 = vector.shape_cast %sub3A_191 : vector<16xf32> to vector<16xf32>
      tpu.vector_store %arg16[%swap3A_192], %swap3A_195 {strides = array<i32>} : memref<128xf32, #tpu.memory_space<vmem>>, vector<16xf32>,
      %get3A_196 = arith.constant 64 : index
      %get3A_197 = tpu.vector_load %arg17[%get3A_196] {strides = array<i32>} : memref<128xf32, #tpu.memory_space<vmem>>, vector<16xf32>,
      %get3A_198 = vector.shape_cast %get3A_197 : vector<16xf32> to vector<16xf32>
      %get3A_199 = arith.constant 64 : index
      %get3A_200 = tpu.vector_load %arg20[%get3A_199] {strides = array<i32>} : memref<128xf32, #tpu.memory_space<vmem>>, vector<16xf32>,
      %get3A_201 = vector.shape_cast %get3A_200 : vector<16xf32> to vector<16xf32>
      %sub3A_202 = arith.subf %get3A_198, %get3A_201 : vector<16xf32>
      %swap3A_203 = arith.constant 64 : index
      %swap3A_204 = tpu.vector_load %arg17[%swap3A_203] {strides = array<i32>} : memref<128xf32, #tpu.memory_space<vmem>>, vector<16xf32>,
      %swap3A_205 = vector.shape_cast %swap3A_204 : vector<16xf32> to vector<16xf32>
      %swap3A_206 = vector.shape_cast %sub3A_202 : vector<16xf32> to vector<16xf32>
      tpu.vector_store %arg17[%swap3A_203], %swap3A_206 {strides = array<i32>} : memref<128xf32, #tpu.memory_space<vmem>>, vector<16xf32>,
      %get3A_207 = arith.constant 80 : index
      %get3A_208 = tpu.vector_load %arg15[%get3A_207] {strides = array<i32>} : memref<128xf32, #tpu.memory_space<vmem>>, vector<16xf32>,
      %get3A_209 = vector.shape_cast %get3A_208 : vector<16xf32> to vector<16xf32>
      %get3A_210 = arith.constant 80 : index
      %get3A_211 = tpu.vector_load %arg18[%get3A_210] {strides = array<i32>} : memref<128xf32, #tpu.memory_space<vmem>>, vector<16xf32>,
      %get3A_212 = vector.shape_cast %get3A_211 : vector<16xf32> to vector<16xf32>
      %sub3A_213 = arith.subf %get3A_209, %get3A_212 : vector<16xf32>
      %swap3A_214 = arith.constant 80 : index
      %swap3A_215 = tpu.vector_load %arg15[%swap3A_214] {strides = array<i32>} : memref<128xf32, #tpu.memory_space<vmem>>, vector<16xf32>,
      %swap3A_216 = vector.shape_cast %swap3A_215 : vector<16xf32> to vector<16xf32>
      %swap3A_217 = vector.shape_cast %sub3A_213 : vector<16xf32> to vector<16xf32>
      tpu.vector_store %arg15[%swap3A_214], %swap3A_217 {strides = array<i32>} : memref<128xf32, #tpu.memory_space<vmem>>, vector<16xf32>,
      %get3A_218 = arith.constant 80 : index
      %get3A_219 = tpu.vector_load %arg16[%get3A_218] {strides = array<i32>} : memref<128xf32, #tpu.memory_space<vmem>>, vector<16xf32>,
      %get3A_220 = vector.shape_cast %get3A_219 : vector<16xf32> to vector<16xf32>
      %get3A_221 = arith.constant 80 : index
      %get3A_222 = tpu.vector_load %arg19[%get3A_221] {strides = array<i32>} : memref<128xf32, #tpu.memory_space<vmem>>, vector<16xf32>,
      %get3A_223 = vector.shape_cast %get3A_222 : vector<16xf32> to vector<16xf32>
      %sub3A_224 = arith.subf %get3A_220, %get3A_223 : vector<16xf32>
      %swap3A_225 = arith.constant 80 : index
      %swap3A_226 = tpu.vector_load %arg16[%swap3A_225] {strides = array<i32>} : memref<128xf32, #tpu.memory_space<vmem>>, vector<16xf32>,
      %swap3A_227 = vector.shape_cast %swap3A_226 : vector<16xf32> to vector<16xf32>
      %swap3A_228 = vector.shape_cast %sub3A_224 : vector<16xf32> to vector<16xf32>
      tpu.vector_store %arg16[%swap3A_225], %swap3A_228 {strides = array<i32>} : memref<128xf32, #tpu.memory_space<vmem>>, vector<16xf32>,
      %get3A_229 = arith.constant 80 : index
      %get3A_230 = tpu.vector_load %arg17[%get3A_229] {strides = array<i32>} : memref<128xf32, #tpu.memory_space<vmem>>, vector<16xf32>,
      %get3A_231 = vector.shape_cast %get3A_230 : vector<16xf32> to vector<16xf32>
      %get3A_232 = arith.constant 80 : index
      %get3A_233 = tpu.vector_load %arg20[%get3A_232] {strides = array<i32>} : memref<128xf32, #tpu.memory_space<vmem>>, vector<16xf32>,
      %get3A_234 = vector.shape_cast %get3A_233 : vector<16xf32> to vector<16xf32>
      %sub3A_235 = arith.subf %get3A_231, %get3A_234 : vector<16xf32>
      %swap3A_236 = arith.constant 80 : index
      %swap3A_237 = tpu.vector_load %arg17[%swap3A_236] {strides = array<i32>} : memref<128xf32, #tpu.memory_space<vmem>>, vector<16xf32>,
      %swap3A_238 = vector.shape_cast %swap3A_237 : vector<16xf32> to vector<16xf32>
      %swap3A_239 = vector.shape_cast %sub3A_235 : vector<16xf32> to vector<16xf32>
      tpu.vector_store %arg17[%swap3A_236], %swap3A_239 {strides = array<i32>} : memref<128xf32, #tpu.memory_space<vmem>>, vector<16xf32>,
      %get3A_240 = arith.constant 96 : index
      %get3A_241 = tpu.vector_load %arg15[%get3A_240] {strides = array<i32>} : memref<128xf32, #tpu.memory_space<vmem>>, vector<16xf32>,
      %get3A_242 = vector.shape_cast %get3A_241 : vector<16xf32> to vector<16xf32>
      %get3A_243 = arith.constant 96 : index
      %get3A_244 = tpu.vector_load %arg18[%get3A_243] {strides = array<i32>} : memref<128xf32, #tpu.memory_space<vmem>>, vector<16xf32>,
      %get3A_245 = vector.shape_cast %get3A_244 : vector<16xf32> to vector<16xf32>
      %sub3A_246 = arith.subf %get3A_242, %get3A_245 : vector<16xf32>
      %swap3A_247 = arith.constant 96 : index
      %swap3A_248 = tpu.vector_load %arg15[%swap3A_247] {strides = array<i32>} : memref<128xf32, #tpu.memory_space<vmem>>, vector<16xf32>,
      %swap3A_249 = vector.shape_cast %swap3A_248 : vector<16xf32> to vector<16xf32>
      %swap3A_250 = vector.shape_cast %sub3A_246 : vector<16xf32> to vector<16xf32>
      tpu.vector_store %arg15[%swap3A_247], %swap3A_250 {strides = array<i32>} : memref<128xf32, #tpu.memory_space<vmem>>, vector<16xf32>,
      %get3A_251 = arith.constant 96 : index
      %get3A_252 = tpu.vector_load %arg16[%get3A_251] {strides = array<i32>} : memref<128xf32, #tpu.memory_space<vmem>>, vector<16xf32>,
      %get3A_253 = vector.shape_cast %get3A_252 : vector<16xf32> to vector<16xf32>
      %get3A_254 = arith.constant 96 : index
      %get3A_255 = tpu.vector_load %arg19[%get3A_254] {strides = array<i32>} : memref<128xf32, #tpu.memory_space<vmem>>, vector<16xf32>,
      %get3A_256 = vector.shape_cast %get3A_255 : vector<16xf32> to vector<16xf32>
      %sub3A_257 = arith.subf %get3A_253, %get3A_256 : vector<16xf32>
      %swap3A_258 = arith.constant 96 : index
      %swap3A_259 = tpu.vector_load %arg16[%swap3A_258] {strides = array<i32>} : memref<128xf32, #tpu.memory_space<vmem>>, vector<16xf32>,
      %swap3A_260 = vector.shape_cast %swap3A_259 : vector<16xf32> to vector<16xf32>
      %swap3A_261 = vector.shape_cast %sub3A_257 : vector<16xf32> to vector<16xf32>
      tpu.vector_store %arg16[%swap3A_258], %swap3A_261 {strides = array<i32>} : memref<128xf32, #tpu.memory_space<vmem>>, vector<16xf32>,
      %get3A_262 = arith.constant 96 : index
      %get3A_263 = tpu.vector_load %arg17[%get3A_262] {strides = array<i32>} : memref<128xf32, #tpu.memory_space<vmem>>, vector<16xf32>,
      %get3A_264 = vector.shape_cast %get3A_263 : vector<16xf32> to vector<16xf32>
      %get3A_265 = arith.constant 96 : index
      %get3A_266 = tpu.vector_load %arg20[%get3A_265] {strides = array<i32>} : memref<128xf32, #tpu.memory_space<vmem>>, vector<16xf32>,
      %get3A_267 = vector.shape_cast %get3A_266 : vector<16xf32> to vector<16xf32>
      %sub3A_268 = arith.subf %get3A_264, %get3A_267 : vector<16xf32>
      %swap3A_269 = arith.constant 96 : index
      %swap3A_270 = tpu.vector_load %arg17[%swap3A_269] {strides = array<i32>} : memref<128xf32, #tpu.memory_space<vmem>>, vector<16xf32>,
      %swap3A_271 = vector.shape_cast %swap3A_270 : vector<16xf32> to vector<16xf32>
      %swap3A_272 = vector.shape_cast %sub3A_268 : vector<16xf32> to vector<16xf32>
      tpu.vector_store %arg17[%swap3A_269], %swap3A_272 {strides = array<i32>} : memref<128xf32, #tpu.memory_space<vmem>>, vector<16xf32>,
      %get3A_273 = arith.constant 112 : index
      %get3A_274 = tpu.vector_load %arg15[%get3A_273] {strides = array<i32>} : memref<128xf32, #tpu.memory_space<vmem>>, vector<16xf32>,
      %get3A_275 = vector.shape_cast %get3A_274 : vector<16xf32> to vector<16xf32>
      %get3A_276 = arith.constant 112 : index
      %get3A_277 = tpu.vector_load %arg18[%get3A_276] {strides = array<i32>} : memref<128xf32, #tpu.memory_space<vmem>>, vector<16xf32>,
      %get3A_278 = vector.shape_cast %get3A_277 : vector<16xf32> to vector<16xf32>
      %sub3A_279 = arith.subf %get3A_275, %get3A_278 : vector<16xf32>
      %swap3A_280 = arith.constant 112 : index
      %swap3A_281 = tpu.vector_load %arg15[%swap3A_280] {strides = array<i32>} : memref<128xf32, #tpu.memory_space<vmem>>, vector<16xf32>,
      %swap3A_282 = vector.shape_cast %swap3A_281 : vector<16xf32> to vector<16xf32>
      %swap3A_283 = vector.shape_cast %sub3A_279 : vector<16xf32> to vector<16xf32>
      tpu.vector_store %arg15[%swap3A_280], %swap3A_283 {strides = array<i32>} : memref<128xf32, #tpu.memory_space<vmem>>, vector<16xf32>,
      %get3A_284 = arith.constant 112 : index
      %get3A_285 = tpu.vector_load %arg16[%get3A_284] {strides = array<i32>} : memref<128xf32, #tpu.memory_space<vmem>>, vector<16xf32>,
      %get3A_286 = vector.shape_cast %get3A_285 : vector<16xf32> to vector<16xf32>
      %get3A_287 = arith.constant 112 : index
      %get3A_288 = tpu.vector_load %arg19[%get3A_287] {strides = array<i32>} : memref<128xf32, #tpu.memory_space<vmem>>, vector<16xf32>,
      %get3A_289 = vector.shape_cast %get3A_288 : vector<16xf32> to vector<16xf32>
      %sub3A_290 = arith.subf %get3A_286, %get3A_289 : vector<16xf32>
      %swap3A_291 = arith.constant 112 : index
      %swap3A_292 = tpu.vector_load %arg16[%swap3A_291] {strides = array<i32>} : memref<128xf32, #tpu.memory_space<vmem>>, vector<16xf32>,
      %swap3A_293 = vector.shape_cast %swap3A_292 : vector<16xf32> to vector<16xf32>
      %swap3A_294 = vector.shape_cast %sub3A_290 : vector<16xf32> to vector<16xf32>
      tpu.vector_store %arg16[%swap3A_291], %swap3A_294 {strides = array<i32>} : memref<128xf32, #tpu.memory_space<vmem>>, vector<16xf32>,
      %get3A_295 = arith.constant 112 : index
      %get3A_296 = tpu.vector_load %arg17[%get3A_295] {strides = array<i32>} : memref<128xf32, #tpu.memory_space<vmem>>, vector<16xf32>,
      %get3A_297 = vector.shape_cast %get3A_296 : vector<16xf32> to vector<16xf32>
      %get3A_298 = arith.constant 112 : index
      %get3A_299 = tpu.vector_load %arg20[%get3A_298] {strides = array<i32>} : memref<128xf32, #tpu.memory_space<vmem>>, vector<16xf32>,
      %get3A_300 = vector.shape_cast %get3A_299 : vector<16xf32> to vector<16xf32>
      %sub3A_301 = arith.subf %get3A_297, %get3A_300 : vector<16xf32>
      %swap3A_302 = arith.constant 112 : index
      %swap3A_303 = tpu.vector_load %arg17[%swap3A_302] {strides = array<i32>} : memref<128xf32, #tpu.memory_space<vmem>>, vector<16xf32>,
      %swap3A_304 = vector.shape_cast %swap3A_303 : vector<16xf32> to vector<16xf32>
      %swap3A_305 = vector.shape_cast %sub3A_301 : vector<16xf32> to vector<16xf32>
      tpu.vector_store %arg17[%swap3A_302], %swap3A_305 {strides = array<i32>} : memref<128xf32, #tpu.memory_space<vmem>>, vector<16xf32>,
      %add3A_306 = arith.addi %mul3A_2, %mul3A_10 : i32
      "tpu.region"() ({
        %run_scoped3A = tpu.sem_alloc : memref<!tpu.dma_semaphore, #tpu.memory_space<semaphore_mem>>
        %dma_start3A_309 = tpu.memref_slice %arg10[%add3A_306] : memref<131072xf32, #tpu.memory_space<hbm>> -> memref<128xf32, #tpu.memory_space<hbm>>
        %dma_start3A_310 = tpu.memref_slice %arg10[%add3A_306] : memref<131072xf32, #tpu.memory_space<hbm>> -> memref<128xf32, #tpu.memory_space<hbm>>
        tpu.enqueue_dma source(%arg15 : memref<128xf32, #tpu.memory_space<vmem>>) target(%dma_start3A_310 : memref<128xf32, #tpu.memory_space<hbm>>) target_semaphore(%run_scoped3A : memref<!tpu.dma_semaphore, #tpu.memory_space<semaphore_mem>>)
        %dma_wait3A_311 = tpu.memref_slice %arg10[%add3A_306] : memref<131072xf32, #tpu.memory_space<hbm>> -> memref<128xf32, #tpu.memory_space<hbm>>
        %dma_wait3A_312 = tpu.memref_slice %arg10[%add3A_306] : memref<131072xf32, #tpu.memory_space<hbm>> -> memref<128xf32, #tpu.memory_space<hbm>>
        tpu.wait_dma2 semaphore(%run_scoped3A : memref<!tpu.dma_semaphore, #tpu.memory_space<semaphore_mem>>) src(%arg15 : memref<128xf32, #tpu.memory_space<vmem>>) dst(%dma_wait3A_312 : memref<128xf32, #tpu.memory_space<hbm>>)
        tpu.yield
      }) : () -> ()
      %add3A_307 = arith.addi %mul3A_2, %mul3A_10 : i32
      "tpu.region"() ({
        %run_scoped3A = tpu.sem_alloc : memref<!tpu.dma_semaphore, #tpu.memory_space<semaphore_mem>>
        %dma_start3A_309 = tpu.memref_slice %arg11[%add3A_307] : memref<131072xf32, #tpu.memory_space<hbm>> -> memref<128xf32, #tpu.memory_space<hbm>>
        %dma_start3A_310 = tpu.memref_slice %arg11[%add3A_307] : memref<131072xf32, #tpu.memory_space<hbm>> -> memref<128xf32, #tpu.memory_space<hbm>>
        tpu.enqueue_dma source(%arg16 : memref<128xf32, #tpu.memory_space<vmem>>) target(%dma_start3A_310 : memref<128xf32, #tpu.memory_space<hbm>>) target_semaphore(%run_scoped3A : memref<!tpu.dma_semaphore, #tpu.memory_space<semaphore_mem>>)
        %dma_wait3A_311 = tpu.memref_slice %arg11[%add3A_307] : memref<131072xf32, #tpu.memory_space<hbm>> -> memref<128xf32, #tpu.memory_space<hbm>>
        %dma_wait3A_312 = tpu.memref_slice %arg11[%add3A_307] : memref<131072xf32, #tpu.memory_space<hbm>> -> memref<128xf32, #tpu.memory_space<hbm>>
        tpu.wait_dma2 semaphore(%run_scoped3A : memref<!tpu.dma_semaphore, #tpu.memory_space<semaphore_mem>>) src(%arg16 : memref<128xf32, #tpu.memory_space<vmem>>) dst(%dma_wait3A_312 : memref<128xf32, #tpu.memory_space<hbm>>)
        tpu.yield
      }) : () -> ()
      %add3A_308 = arith.addi %mul3A_2, %mul3A_10 : i32
      "tpu.region"() ({
        %run_scoped3A = tpu.sem_alloc : memref<!tpu.dma_semaphore, #tpu.memory_space<semaphore_mem>>
        %dma_start3A_309 = tpu.memref_slice %arg12[%add3A_308] : memref<131072xf32, #tpu.memory_space<hbm>> -> memref<128xf32, #tpu.memory_space<hbm>>
        %dma_start3A_310 = tpu.memref_slice %arg12[%add3A_308] : memref<131072xf32, #tpu.memory_space<hbm>> -> memref<128xf32, #tpu.memory_space<hbm>>
        tpu.enqueue_dma source(%arg17 : memref<128xf32, #tpu.memory_space<vmem>>) target(%dma_start3A_310 : memref<128xf32, #tpu.memory_space<hbm>>) target_semaphore(%run_scoped3A : memref<!tpu.dma_semaphore, #tpu.memory_space<semaphore_mem>>)
        %dma_wait3A_311 = tpu.memref_slice %arg12[%add3A_308] : memref<131072xf32, #tpu.memory_space<hbm>> -> memref<128xf32, #tpu.memory_space<hbm>>
        %dma_wait3A_312 = tpu.memref_slice %arg12[%add3A_308] : memref<131072xf32, #tpu.memory_space<hbm>> -> memref<128xf32, #tpu.memory_space<hbm>>
        tpu.wait_dma2 semaphore(%run_scoped3A : memref<!tpu.dma_semaphore, #tpu.memory_space<semaphore_mem>>) src(%arg17 : memref<128xf32, #tpu.memory_space<vmem>>) dst(%dma_wait3A_312 : memref<128xf32, #tpu.memory_space<hbm>>)
        tpu.yield
      }) : () -> ()
    }
    %scan3A_7 = arith.constant 32 : i32
    return
  }
}

module attributes {stable_mosaic.version = 14 : i64} {
  func.func @_fps_body(%arg0: memref<2x3x128x128xf32, #tpu.memory_space<vmem>>, %arg1: memref<2x3x8x128xf32, #tpu.memory_space<vmem>>) attributes {dimension_semantics = [], scalar_prefetch = 0 : i64, scratch_operands = 0 : i64, tpu.core_type = #tpu.core_type<tc>} {
    %get3A = arith.constant 0 : index
    %get3A_0 = arith.constant 0 : index
    %get3A_1 = arith.constant 0 : index
    %get3A_2 = arith.constant 0 : index
    %get3A_3 = vector.load %arg0[%get3A, %get3A_0, %get3A_1, %get3A_2] : memref<2x3x128x128xf32, #tpu.memory_space<vmem>>, vector<1x1x128x128xf32>
    %get3A_4 = vector.shape_cast %get3A_3 : vector<1x1x128x128xf32> to vector<128x128xf32>
    %get3A_5 = arith.constant 0 : index
    %get3A_6 = arith.constant 1 : index
    %get3A_7 = arith.constant 0 : index
    %get3A_8 = arith.constant 0 : index
    %get3A_9 = vector.load %arg0[%get3A_5, %get3A_6, %get3A_7, %get3A_8] : memref<2x3x128x128xf32, #tpu.memory_space<vmem>>, vector<1x1x128x128xf32>
    %get3A_10 = vector.shape_cast %get3A_9 : vector<1x1x128x128xf32> to vector<128x128xf32>
    %get3A_11 = arith.constant 0 : index
    %get3A_12 = arith.constant 2 : index
    %get3A_13 = arith.constant 0 : index
    %get3A_14 = arith.constant 0 : index
    %get3A_15 = vector.load %arg0[%get3A_11, %get3A_12, %get3A_13, %get3A_14] : memref<2x3x128x128xf32, #tpu.memory_space<vmem>>, vector<1x1x128x128xf32>
    %get3A_16 = vector.shape_cast %get3A_15 : vector<1x1x128x128xf32> to vector<128x128xf32>
    %get3A_17 = arith.constant 1 : index
    %get3A_18 = arith.constant 0 : index
    %get3A_19 = arith.constant 0 : index
    %get3A_20 = arith.constant 0 : index
    %get3A_21 = vector.load %arg0[%get3A_17, %get3A_18, %get3A_19, %get3A_20] : memref<2x3x128x128xf32, #tpu.memory_space<vmem>>, vector<1x1x128x128xf32>
    %get3A_22 = vector.shape_cast %get3A_21 : vector<1x1x128x128xf32> to vector<128x128xf32>
    %get3A_23 = arith.constant 1 : index
    %get3A_24 = arith.constant 1 : index
    %get3A_25 = arith.constant 0 : index
    %get3A_26 = arith.constant 0 : index
    %get3A_27 = vector.load %arg0[%get3A_23, %get3A_24, %get3A_25, %get3A_26] : memref<2x3x128x128xf32, #tpu.memory_space<vmem>>, vector<1x1x128x128xf32>
    %get3A_28 = vector.shape_cast %get3A_27 : vector<1x1x128x128xf32> to vector<128x128xf32>
    %get3A_29 = arith.constant 1 : index
    %get3A_30 = arith.constant 2 : index
    %get3A_31 = arith.constant 0 : index
    %get3A_32 = arith.constant 0 : index
    %get3A_33 = vector.load %arg0[%get3A_29, %get3A_30, %get3A_31, %get3A_32] : memref<2x3x128x128xf32, #tpu.memory_space<vmem>>, vector<1x1x128x128xf32>
    %get3A_34 = vector.shape_cast %get3A_33 : vector<1x1x128x128xf32> to vector<128x128xf32>
    %iota3A = tpu.iota {dimensions = array<i32: 0>} : vector<128x128xi32>
    %iota3A_35 = tpu.iota {dimensions = array<i32: 1>} : vector<128x128xi32>
    %mul3A = arith.constant 128 : i32
    %mul3A_36 = vector.broadcast %mul3A : i32 to vector<128x128xi32>
    %mul3A_37 = arith.muli %iota3A, %mul3A_36 : vector<128x128xi32>
    %add3A = arith.addi %mul3A_37, %iota3A_35 : vector<128x128xi32>
    %iota3A_38 = tpu.iota {dimensions = array<i32: 0>} : vector<8x128xi32>
    %iota3A_39 = tpu.iota {dimensions = array<i32: 1>} : vector<8x128xi32>
    %broadcast_in_dim3A = arith.constant 1.000000e+10 : f32
    %broadcast_in_dim3A_40 = vector.broadcast %broadcast_in_dim3A : f32 to vector<128x128xf32>
    %broadcast_in_dim3A_41 = arith.constant 0 : i32
    %broadcast_in_dim3A_42 = vector.broadcast %broadcast_in_dim3A_41 : i32 to vector<1x1xi32>
    %broadcast_in_dim3A_43 = arith.constant 0.000000e+00 : f32
    %broadcast_in_dim3A_44 = vector.broadcast %broadcast_in_dim3A_43 : f32 to vector<8x128xf32>
    %broadcast_in_dim3A_45 = arith.constant 0.000000e+00 : f32
    %broadcast_in_dim3A_46 = vector.broadcast %broadcast_in_dim3A_45 : f32 to vector<8x128xf32>
    %broadcast_in_dim3A_47 = arith.constant 0.000000e+00 : f32
    %broadcast_in_dim3A_48 = vector.broadcast %broadcast_in_dim3A_47 : f32 to vector<8x128xf32>
    %broadcast_in_dim3A_49 = arith.constant 1.000000e+10 : f32
    %broadcast_in_dim3A_50 = vector.broadcast %broadcast_in_dim3A_49 : f32 to vector<128x128xf32>
    %broadcast_in_dim3A_51 = arith.constant 0 : i32
    %broadcast_in_dim3A_52 = vector.broadcast %broadcast_in_dim3A_51 : i32 to vector<1x1xi32>
    %broadcast_in_dim3A_53 = arith.constant 0.000000e+00 : f32
    %broadcast_in_dim3A_54 = vector.broadcast %broadcast_in_dim3A_53 : f32 to vector<8x128xf32>
    %broadcast_in_dim3A_55 = arith.constant 0.000000e+00 : f32
    %broadcast_in_dim3A_56 = vector.broadcast %broadcast_in_dim3A_55 : f32 to vector<8x128xf32>
    %broadcast_in_dim3A_57 = arith.constant 0.000000e+00 : f32
    %broadcast_in_dim3A_58 = vector.broadcast %broadcast_in_dim3A_57 : f32 to vector<8x128xf32>
    %scan3A = arith.constant 0 : i32
    %scan3A_59 = arith.constant 1024 : i32
    %scan3A_60 = arith.addi %scan3A, %scan3A_59 : i32
    %scan3A_61 = arith.constant 1 : i32
    %scan3A_62:10 = scf.for %scan3A_105 = %scan3A to %scan3A_60 step %scan3A_61 iter_args(%scan3A_106 = %broadcast_in_dim3A_40, %scan3A_107 = %broadcast_in_dim3A_42, %scan3A_108 = %broadcast_in_dim3A_44, %scan3A_109 = %broadcast_in_dim3A_46, %scan3A_110 = %broadcast_in_dim3A_48, %scan3A_111 = %broadcast_in_dim3A_50, %scan3A_112 = %broadcast_in_dim3A_52, %scan3A_113 = %broadcast_in_dim3A_54, %scan3A_114 = %broadcast_in_dim3A_56, %scan3A_115 = %broadcast_in_dim3A_58) -> (vector<128x128xf32>, vector<1x1xi32>, vector<8x128xf32>, vector<8x128xf32>, vector<8x128xf32>, vector<128x128xf32>, vector<1x1xi32>, vector<8x128xf32>, vector<8x128xf32>, vector<8x128xf32>)  : i32 {
      %jit3A = arith.constant 128 : i32
      %div3A = arith.divsi %scan3A_105, %jit3A : i32
      %sign3A = arith.constant 0 : i32
      %sign3A_116 = arith.cmpi sgt, %scan3A_105, %sign3A : i32
      %sign3A_117 = arith.extui %sign3A_116 : i1 to i32
      %sign3A_118 = arith.constant 0 : i32
      %sign3A_119 = arith.cmpi slt, %scan3A_105, %sign3A_118 : i32
      %sign3A_120 = arith.extui %sign3A_119 : i1 to i32
      %sign3A_121 = arith.subi %sign3A_117, %sign3A_120 : i32
      %sign3A_122 = arith.constant 0 : i32
      %sign3A_123 = arith.cmpi sgt, %jit3A, %sign3A_122 : i32
      %sign3A_124 = arith.extui %sign3A_123 : i1 to i32
      %sign3A_125 = arith.constant 0 : i32
      %sign3A_126 = arith.cmpi slt, %jit3A, %sign3A_125 : i32
      %sign3A_127 = arith.extui %sign3A_126 : i1 to i32
      %sign3A_128 = arith.subi %sign3A_124, %sign3A_127 : i32
      %ne3A = arith.cmpi ne, %sign3A_121, %sign3A_128 : i32
      %rem3A = arith.remsi %scan3A_105, %jit3A : i32
      %ne3A_129 = arith.constant 0 : i32
      %ne3A_130 = arith.cmpi ne, %rem3A, %ne3A_129 : i32
      %and3A = arith.andi %ne3A, %ne3A_130 : i1
      %sub3A = arith.constant 1 : i32
      %sub3A_131 = arith.subi %div3A, %sub3A : i32
      %select_n3A = arith.select %and3A, %sub3A_131, %div3A : i32
      %eq3A = vector.broadcast %select_n3A : i32 to vector<8x128xi32>
      %eq3A_132 = arith.cmpi eq, %iota3A_38, %eq3A : vector<8x128xi32>
      %jit3A_133 = arith.constant 128 : i32
      %eq3A_134 = arith.constant 0 : i32
      %eq3A_135 = arith.cmpi eq, %jit3A_133, %eq3A_134 : i32
      %jit3A_136 = arith.constant 1 : i32
      %select_n3A_137 = arith.select %eq3A_135, %jit3A_136, %jit3A_133 : i32
      %rem3A_138 = arith.remsi %scan3A_105, %select_n3A_137 : i32
      %ne3A_139 = arith.constant 0 : i32
      %ne3A_140 = arith.cmpi ne, %rem3A_138, %ne3A_139 : i32
      %lt3A = arith.constant 0 : i32
      %lt3A_141 = arith.cmpi slt, %rem3A_138, %lt3A : i32
      %lt3A_142 = arith.constant 0 : i32
      %lt3A_143 = arith.cmpi slt, %select_n3A_137, %lt3A_142 : i32
      %ne3A_144 = arith.xori %lt3A_141, %lt3A_143 : i1
      %and3A_145 = arith.andi %ne3A_144, %ne3A_140 : i1
      %add3A_146 = arith.addi %rem3A_138, %select_n3A_137 : i32
      %select_n3A_147 = arith.select %and3A_145, %add3A_146, %rem3A_138 : i32
      %eq3A_148 = vector.broadcast %select_n3A_147 : i32 to vector<8x128xi32>
      %eq3A_149 = arith.cmpi eq, %iota3A_39, %eq3A_148 : vector<8x128xi32>
      %and3A_150 = arith.andi %eq3A_132, %eq3A_149 : vector<8x128xi1>
      %eq3A_151 = vector.broadcast %scan3A_107 : vector<1x1xi32> to vector<128x128xi32>
      %eq3A_152 = arith.cmpi eq, %add3A, %eq3A_151 : vector<128x128xi32>
      %jit3A_153 = arith.constant 0.000000e+00 : f32
      %broadcast_in_dim3A_154 = vector.broadcast %jit3A_153 : f32 to vector<128x128xf32>
      %select_n3A_155 = arith.select %eq3A_152, %get3A_4, %broadcast_in_dim3A_154 : vector<128x128xi1>, vector<128x128xf32>
      %reduce_sum3A = vector.shape_cast %select_n3A_155 : vector<128x128xf32> to vector<1x128x128xf32>
      %reduce_sum3A_156 = arith.constant dense<0.000000e+00> : vector<1xf32>
      %reduce_sum3A_157 = vector.multi_reduction <add>, %reduce_sum3A, %reduce_sum3A_156 [1, 2] : vector<1x128x128xf32> to vector<1xf32>
      %reduce_sum3A_158 = vector.shape_cast %reduce_sum3A_157 : vector<1xf32> to vector<1x1x1xf32>
      %reduce_sum3A_159 = vector.extract %reduce_sum3A_158[0, 0, 0] : f32 from vector<1x1x1xf32>
      %broadcast_in_dim3A_160 = vector.broadcast %reduce_sum3A_159 : f32 to vector<1x1xf32>
      %jit3A_161 = arith.constant 0.000000e+00 : f32
      %broadcast_in_dim3A_162 = vector.broadcast %jit3A_161 : f32 to vector<128x128xf32>
      %select_n3A_163 = arith.select %eq3A_152, %get3A_10, %broadcast_in_dim3A_162 : vector<128x128xi1>, vector<128x128xf32>
      %reduce_sum3A_164 = vector.shape_cast %select_n3A_163 : vector<128x128xf32> to vector<1x128x128xf32>
      %reduce_sum3A_165 = arith.constant dense<0.000000e+00> : vector<1xf32>
      %reduce_sum3A_166 = vector.multi_reduction <add>, %reduce_sum3A_164, %reduce_sum3A_165 [1, 2] : vector<1x128x128xf32> to vector<1xf32>
      %reduce_sum3A_167 = vector.shape_cast %reduce_sum3A_166 : vector<1xf32> to vector<1x1x1xf32>
      %reduce_sum3A_168 = vector.extract %reduce_sum3A_167[0, 0, 0] : f32 from vector<1x1x1xf32>
      %broadcast_in_dim3A_169 = vector.broadcast %reduce_sum3A_168 : f32 to vector<1x1xf32>
      %jit3A_170 = arith.constant 0.000000e+00 : f32
      %broadcast_in_dim3A_171 = vector.broadcast %jit3A_170 : f32 to vector<128x128xf32>
      %select_n3A_172 = arith.select %eq3A_152, %get3A_16, %broadcast_in_dim3A_171 : vector<128x128xi1>, vector<128x128xf32>
      %reduce_sum3A_173 = vector.shape_cast %select_n3A_172 : vector<128x128xf32> to vector<1x128x128xf32>
      %reduce_sum3A_174 = arith.constant dense<0.000000e+00> : vector<1xf32>
      %reduce_sum3A_175 = vector.multi_reduction <add>, %reduce_sum3A_173, %reduce_sum3A_174 [1, 2] : vector<1x128x128xf32> to vector<1xf32>
      %reduce_sum3A_176 = vector.shape_cast %reduce_sum3A_175 : vector<1xf32> to vector<1x1x1xf32>
      %reduce_sum3A_177 = vector.extract %reduce_sum3A_176[0, 0, 0] : f32 from vector<1x1x1xf32>
      %broadcast_in_dim3A_178 = vector.broadcast %reduce_sum3A_177 : f32 to vector<1x1xf32>
      %broadcast_in_dim3A_179 = vector.shape_cast %broadcast_in_dim3A_160 : vector<1x1xf32> to vector<1x1xf32>
      %broadcast_in_dim3A_180 = vector.broadcast %broadcast_in_dim3A_179 : vector<1x1xf32> to vector<8x128xf32>
      %select_n3A_181 = arith.select %and3A_150, %broadcast_in_dim3A_180, %scan3A_108 : vector<8x128xi1>, vector<8x128xf32>
      %broadcast_in_dim3A_182 = vector.shape_cast %broadcast_in_dim3A_169 : vector<1x1xf32> to vector<1x1xf32>
      %broadcast_in_dim3A_183 = vector.broadcast %broadcast_in_dim3A_182 : vector<1x1xf32> to vector<8x128xf32>
      %select_n3A_184 = arith.select %and3A_150, %broadcast_in_dim3A_183, %scan3A_109 : vector<8x128xi1>, vector<8x128xf32>
      %broadcast_in_dim3A_185 = vector.shape_cast %broadcast_in_dim3A_178 : vector<1x1xf32> to vector<1x1xf32>
      %broadcast_in_dim3A_186 = vector.broadcast %broadcast_in_dim3A_185 : vector<1x1xf32> to vector<8x128xf32>
      %select_n3A_187 = arith.select %and3A_150, %broadcast_in_dim3A_186, %scan3A_110 : vector<8x128xi1>, vector<8x128xf32>
      %sub3A_188 = vector.broadcast %broadcast_in_dim3A_160 : vector<1x1xf32> to vector<128x128xf32>
      %sub3A_189 = arith.subf %get3A_4, %sub3A_188 : vector<128x128xf32>
      %sub3A_190 = vector.broadcast %broadcast_in_dim3A_169 : vector<1x1xf32> to vector<128x128xf32>
      %sub3A_191 = arith.subf %get3A_10, %sub3A_190 : vector<128x128xf32>
      %sub3A_192 = vector.broadcast %broadcast_in_dim3A_178 : vector<1x1xf32> to vector<128x128xf32>
      %sub3A_193 = arith.subf %get3A_16, %sub3A_192 : vector<128x128xf32>
      %mul3A_194 = arith.mulf %sub3A_189, %sub3A_189 : vector<128x128xf32>
      %mul3A_195 = arith.mulf %sub3A_191, %sub3A_191 : vector<128x128xf32>
      %add3A_196 = arith.addf %mul3A_194, %mul3A_195 : vector<128x128xf32>
      %mul3A_197 = arith.mulf %sub3A_193, %sub3A_193 : vector<128x128xf32>
      %add3A_198 = arith.addf %add3A_196, %mul3A_197 : vector<128x128xf32>
      %min3A = arith.minimumf %scan3A_106, %add3A_198 : vector<128x128xf32>
      %reduce_max3A = vector.shape_cast %min3A : vector<128x128xf32> to vector<1x128x128xf32>
      %reduce_max3A_199 = arith.constant dense<0xFF800000> : vector<1xf32>
      %reduce_max3A_200 = vector.multi_reduction <maximumf>, %reduce_max3A, %reduce_max3A_199 [1, 2] : vector<1x128x128xf32> to vector<1xf32>
      %reduce_max3A_201 = vector.shape_cast %reduce_max3A_200 : vector<1xf32> to vector<1x1x1xf32>
      %reduce_max3A_202 = vector.extract %reduce_max3A_201[0, 0, 0] : f32 from vector<1x1x1xf32>
      %broadcast_in_dim3A_203 = vector.broadcast %reduce_max3A_202 : f32 to vector<1x1xf32>
      %eq3A_204 = vector.broadcast %broadcast_in_dim3A_203 : vector<1x1xf32> to vector<128x128xf32>
      %eq3A_205 = arith.cmpf oeq, %min3A, %eq3A_204 : vector<128x128xf32>
      %jit3A_206 = arith.constant 16384 : i32
      %broadcast_in_dim3A_207 = vector.broadcast %jit3A_206 : i32 to vector<128x128xi32>
      %select_n3A_208 = arith.select %eq3A_205, %add3A, %broadcast_in_dim3A_207 : vector<128x128xi1>, vector<128x128xi32>
      %reduce_min3A = vector.shape_cast %select_n3A_208 : vector<128x128xi32> to vector<1x128x128xi32>
      %reduce_min3A_209 = arith.constant dense<2147483647> : vector<1xi32>
      %reduce_min3A_210 = vector.multi_reduction <minsi>, %reduce_min3A, %reduce_min3A_209 [1, 2] : vector<1x128x128xi32> to vector<1xi32>
      %reduce_min3A_211 = vector.shape_cast %reduce_min3A_210 : vector<1xi32> to vector<1x1x1xi32>
      %reduce_min3A_212 = vector.extract %reduce_min3A_211[0, 0, 0] : i32 from vector<1x1x1xi32>
      %broadcast_in_dim3A_213 = vector.broadcast %reduce_min3A_212 : i32 to vector<1x1xi32>
      %eq3A_214 = vector.broadcast %scan3A_112 : vector<1x1xi32> to vector<128x128xi32>
      %eq3A_215 = arith.cmpi eq, %add3A, %eq3A_214 : vector<128x128xi32>
      %jit3A_216 = arith.constant 0.000000e+00 : f32
      %broadcast_in_dim3A_217 = vector.broadcast %jit3A_216 : f32 to vector<128x128xf32>
      %select_n3A_218 = arith.select %eq3A_215, %get3A_22, %broadcast_in_dim3A_217 : vector<128x128xi1>, vector<128x128xf32>
      %reduce_sum3A_219 = vector.shape_cast %select_n3A_218 : vector<128x128xf32> to vector<1x128x128xf32>
      %reduce_sum3A_220 = arith.constant dense<0.000000e+00> : vector<1xf32>
      %reduce_sum3A_221 = vector.multi_reduction <add>, %reduce_sum3A_219, %reduce_sum3A_220 [1, 2] : vector<1x128x128xf32> to vector<1xf32>
      %reduce_sum3A_222 = vector.shape_cast %reduce_sum3A_221 : vector<1xf32> to vector<1x1x1xf32>
      %reduce_sum3A_223 = vector.extract %reduce_sum3A_222[0, 0, 0] : f32 from vector<1x1x1xf32>
      %broadcast_in_dim3A_224 = vector.broadcast %reduce_sum3A_223 : f32 to vector<1x1xf32>
      %jit3A_225 = arith.constant 0.000000e+00 : f32
      %broadcast_in_dim3A_226 = vector.broadcast %jit3A_225 : f32 to vector<128x128xf32>
      %select_n3A_227 = arith.select %eq3A_215, %get3A_28, %broadcast_in_dim3A_226 : vector<128x128xi1>, vector<128x128xf32>
      %reduce_sum3A_228 = vector.shape_cast %select_n3A_227 : vector<128x128xf32> to vector<1x128x128xf32>
      %reduce_sum3A_229 = arith.constant dense<0.000000e+00> : vector<1xf32>
      %reduce_sum3A_230 = vector.multi_reduction <add>, %reduce_sum3A_228, %reduce_sum3A_229 [1, 2] : vector<1x128x128xf32> to vector<1xf32>
      %reduce_sum3A_231 = vector.shape_cast %reduce_sum3A_230 : vector<1xf32> to vector<1x1x1xf32>
      %reduce_sum3A_232 = vector.extract %reduce_sum3A_231[0, 0, 0] : f32 from vector<1x1x1xf32>
      %broadcast_in_dim3A_233 = vector.broadcast %reduce_sum3A_232 : f32 to vector<1x1xf32>
      %jit3A_234 = arith.constant 0.000000e+00 : f32
      %broadcast_in_dim3A_235 = vector.broadcast %jit3A_234 : f32 to vector<128x128xf32>
      %select_n3A_236 = arith.select %eq3A_215, %get3A_34, %broadcast_in_dim3A_235 : vector<128x128xi1>, vector<128x128xf32>
      %reduce_sum3A_237 = vector.shape_cast %select_n3A_236 : vector<128x128xf32> to vector<1x128x128xf32>
      %reduce_sum3A_238 = arith.constant dense<0.000000e+00> : vector<1xf32>
      %reduce_sum3A_239 = vector.multi_reduction <add>, %reduce_sum3A_237, %reduce_sum3A_238 [1, 2] : vector<1x128x128xf32> to vector<1xf32>
      %reduce_sum3A_240 = vector.shape_cast %reduce_sum3A_239 : vector<1xf32> to vector<1x1x1xf32>
      %reduce_sum3A_241 = vector.extract %reduce_sum3A_240[0, 0, 0] : f32 from vector<1x1x1xf32>
      %broadcast_in_dim3A_242 = vector.broadcast %reduce_sum3A_241 : f32 to vector<1x1xf32>
      %broadcast_in_dim3A_243 = vector.shape_cast %broadcast_in_dim3A_224 : vector<1x1xf32> to vector<1x1xf32>
      %broadcast_in_dim3A_244 = vector.broadcast %broadcast_in_dim3A_243 : vector<1x1xf32> to vector<8x128xf32>
      %select_n3A_245 = arith.select %and3A_150, %broadcast_in_dim3A_244, %scan3A_113 : vector<8x128xi1>, vector<8x128xf32>
      %broadcast_in_dim3A_246 = vector.shape_cast %broadcast_in_dim3A_233 : vector<1x1xf32> to vector<1x1xf32>
      %broadcast_in_dim3A_247 = vector.broadcast %broadcast_in_dim3A_246 : vector<1x1xf32> to vector<8x128xf32>
      %select_n3A_248 = arith.select %and3A_150, %broadcast_in_dim3A_247, %scan3A_114 : vector<8x128xi1>, vector<8x128xf32>
      %broadcast_in_dim3A_249 = vector.shape_cast %broadcast_in_dim3A_242 : vector<1x1xf32> to vector<1x1xf32>
      %broadcast_in_dim3A_250 = vector.broadcast %broadcast_in_dim3A_249 : vector<1x1xf32> to vector<8x128xf32>
      %select_n3A_251 = arith.select %and3A_150, %broadcast_in_dim3A_250, %scan3A_115 : vector<8x128xi1>, vector<8x128xf32>
      %sub3A_252 = vector.broadcast %broadcast_in_dim3A_224 : vector<1x1xf32> to vector<128x128xf32>
      %sub3A_253 = arith.subf %get3A_22, %sub3A_252 : vector<128x128xf32>
      %sub3A_254 = vector.broadcast %broadcast_in_dim3A_233 : vector<1x1xf32> to vector<128x128xf32>
      %sub3A_255 = arith.subf %get3A_28, %sub3A_254 : vector<128x128xf32>
      %sub3A_256 = vector.broadcast %broadcast_in_dim3A_242 : vector<1x1xf32> to vector<128x128xf32>
      %sub3A_257 = arith.subf %get3A_34, %sub3A_256 : vector<128x128xf32>
      %mul3A_258 = arith.mulf %sub3A_253, %sub3A_253 : vector<128x128xf32>
      %mul3A_259 = arith.mulf %sub3A_255, %sub3A_255 : vector<128x128xf32>
      %add3A_260 = arith.addf %mul3A_258, %mul3A_259 : vector<128x128xf32>
      %mul3A_261 = arith.mulf %sub3A_257, %sub3A_257 : vector<128x128xf32>
      %add3A_262 = arith.addf %add3A_260, %mul3A_261 : vector<128x128xf32>
      %min3A_263 = arith.minimumf %scan3A_111, %add3A_262 : vector<128x128xf32>
      %reduce_max3A_264 = vector.shape_cast %min3A_263 : vector<128x128xf32> to vector<1x128x128xf32>
      %reduce_max3A_265 = arith.constant dense<0xFF800000> : vector<1xf32>
      %reduce_max3A_266 = vector.multi_reduction <maximumf>, %reduce_max3A_264, %reduce_max3A_265 [1, 2] : vector<1x128x128xf32> to vector<1xf32>
      %reduce_max3A_267 = vector.shape_cast %reduce_max3A_266 : vector<1xf32> to vector<1x1x1xf32>
      %reduce_max3A_268 = vector.extract %reduce_max3A_267[0, 0, 0] : f32 from vector<1x1x1xf32>
      %broadcast_in_dim3A_269 = vector.broadcast %reduce_max3A_268 : f32 to vector<1x1xf32>
      %eq3A_270 = vector.broadcast %broadcast_in_dim3A_269 : vector<1x1xf32> to vector<128x128xf32>
      %eq3A_271 = arith.cmpf oeq, %min3A_263, %eq3A_270 : vector<128x128xf32>
      %jit3A_272 = arith.constant 16384 : i32
      %broadcast_in_dim3A_273 = vector.broadcast %jit3A_272 : i32 to vector<128x128xi32>
      %select_n3A_274 = arith.select %eq3A_271, %add3A, %broadcast_in_dim3A_273 : vector<128x128xi1>, vector<128x128xi32>
      %reduce_min3A_275 = vector.shape_cast %select_n3A_274 : vector<128x128xi32> to vector<1x128x128xi32>
      %reduce_min3A_276 = arith.constant dense<2147483647> : vector<1xi32>
      %reduce_min3A_277 = vector.multi_reduction <minsi>, %reduce_min3A_275, %reduce_min3A_276 [1, 2] : vector<1x128x128xi32> to vector<1xi32>
      %reduce_min3A_278 = vector.shape_cast %reduce_min3A_277 : vector<1xi32> to vector<1x1x1xi32>
      %reduce_min3A_279 = vector.extract %reduce_min3A_278[0, 0, 0] : i32 from vector<1x1x1xi32>
      %broadcast_in_dim3A_280 = vector.broadcast %reduce_min3A_279 : i32 to vector<1x1xi32>
      scf.yield %min3A, %broadcast_in_dim3A_213, %select_n3A_181, %select_n3A_184, %select_n3A_187, %min3A_263, %broadcast_in_dim3A_280, %select_n3A_245, %select_n3A_248, %select_n3A_251 : vector<128x128xf32>, vector<1x1xi32>, vector<8x128xf32>, vector<8x128xf32>, vector<8x128xf32>, vector<128x128xf32>, vector<1x1xi32>, vector<8x128xf32>, vector<8x128xf32>, vector<8x128xf32>
    }
    %scan3A_63 = arith.constant 1024 : i32
    %swap3A = arith.constant 0 : index
    %swap3A_64 = arith.constant 0 : index
    %swap3A_65 = arith.constant 0 : index
    %swap3A_66 = arith.constant 0 : index
    %swap3A_67 = vector.load %arg1[%swap3A, %swap3A_64, %swap3A_65, %swap3A_66] : memref<2x3x8x128xf32, #tpu.memory_space<vmem>>, vector<1x1x8x128xf32>
    %swap3A_68 = vector.shape_cast %swap3A_67 : vector<1x1x8x128xf32> to vector<8x128xf32>
    %swap3A_69 = vector.shape_cast %scan3A_62#2 : vector<8x128xf32> to vector<1x1x8x128xf32>
    tpu.vector_store %arg1[%swap3A, %swap3A_64, %swap3A_65, %swap3A_66], %swap3A_69 {strides = array<i32>} : memref<2x3x8x128xf32, #tpu.memory_space<vmem>>, vector<1x1x8x128xf32>,
    %swap3A_70 = arith.constant 0 : index
    %swap3A_71 = arith.constant 1 : index
    %swap3A_72 = arith.constant 0 : index
    %swap3A_73 = arith.constant 0 : index
    %swap3A_74 = vector.load %arg1[%swap3A_70, %swap3A_71, %swap3A_72, %swap3A_73] : memref<2x3x8x128xf32, #tpu.memory_space<vmem>>, vector<1x1x8x128xf32>
    %swap3A_75 = vector.shape_cast %swap3A_74 : vector<1x1x8x128xf32> to vector<8x128xf32>
    %swap3A_76 = vector.shape_cast %scan3A_62#3 : vector<8x128xf32> to vector<1x1x8x128xf32>
    tpu.vector_store %arg1[%swap3A_70, %swap3A_71, %swap3A_72, %swap3A_73], %swap3A_76 {strides = array<i32>} : memref<2x3x8x128xf32, #tpu.memory_space<vmem>>, vector<1x1x8x128xf32>,
    %swap3A_77 = arith.constant 0 : index
    %swap3A_78 = arith.constant 2 : index
    %swap3A_79 = arith.constant 0 : index
    %swap3A_80 = arith.constant 0 : index
    %swap3A_81 = vector.load %arg1[%swap3A_77, %swap3A_78, %swap3A_79, %swap3A_80] : memref<2x3x8x128xf32, #tpu.memory_space<vmem>>, vector<1x1x8x128xf32>
    %swap3A_82 = vector.shape_cast %swap3A_81 : vector<1x1x8x128xf32> to vector<8x128xf32>
    %swap3A_83 = vector.shape_cast %scan3A_62#4 : vector<8x128xf32> to vector<1x1x8x128xf32>
    tpu.vector_store %arg1[%swap3A_77, %swap3A_78, %swap3A_79, %swap3A_80], %swap3A_83 {strides = array<i32>} : memref<2x3x8x128xf32, #tpu.memory_space<vmem>>, vector<1x1x8x128xf32>,
    %swap3A_84 = arith.constant 1 : index
    %swap3A_85 = arith.constant 0 : index
    %swap3A_86 = arith.constant 0 : index
    %swap3A_87 = arith.constant 0 : index
    %swap3A_88 = vector.load %arg1[%swap3A_84, %swap3A_85, %swap3A_86, %swap3A_87] : memref<2x3x8x128xf32, #tpu.memory_space<vmem>>, vector<1x1x8x128xf32>
    %swap3A_89 = vector.shape_cast %swap3A_88 : vector<1x1x8x128xf32> to vector<8x128xf32>
    %swap3A_90 = vector.shape_cast %scan3A_62#7 : vector<8x128xf32> to vector<1x1x8x128xf32>
    tpu.vector_store %arg1[%swap3A_84, %swap3A_85, %swap3A_86, %swap3A_87], %swap3A_90 {strides = array<i32>} : memref<2x3x8x128xf32, #tpu.memory_space<vmem>>, vector<1x1x8x128xf32>,
    %swap3A_91 = arith.constant 1 : index
    %swap3A_92 = arith.constant 1 : index
    %swap3A_93 = arith.constant 0 : index
    %swap3A_94 = arith.constant 0 : index
    %swap3A_95 = vector.load %arg1[%swap3A_91, %swap3A_92, %swap3A_93, %swap3A_94] : memref<2x3x8x128xf32, #tpu.memory_space<vmem>>, vector<1x1x8x128xf32>
    %swap3A_96 = vector.shape_cast %swap3A_95 : vector<1x1x8x128xf32> to vector<8x128xf32>
    %swap3A_97 = vector.shape_cast %scan3A_62#8 : vector<8x128xf32> to vector<1x1x8x128xf32>
    tpu.vector_store %arg1[%swap3A_91, %swap3A_92, %swap3A_93, %swap3A_94], %swap3A_97 {strides = array<i32>} : memref<2x3x8x128xf32, #tpu.memory_space<vmem>>, vector<1x1x8x128xf32>,
    %swap3A_98 = arith.constant 1 : index
    %swap3A_99 = arith.constant 2 : index
    %swap3A_100 = arith.constant 0 : index
    %swap3A_101 = arith.constant 0 : index
    %swap3A_102 = vector.load %arg1[%swap3A_98, %swap3A_99, %swap3A_100, %swap3A_101] : memref<2x3x8x128xf32, #tpu.memory_space<vmem>>, vector<1x1x8x128xf32>
    %swap3A_103 = vector.shape_cast %swap3A_102 : vector<1x1x8x128xf32> to vector<8x128xf32>
    %swap3A_104 = vector.shape_cast %scan3A_62#9 : vector<8x128xf32> to vector<1x1x8x128xf32>
    tpu.vector_store %arg1[%swap3A_98, %swap3A_99, %swap3A_100, %swap3A_101], %swap3A_104 {strides = array<i32>} : memref<2x3x8x128xf32, #tpu.memory_space<vmem>>, vector<1x1x8x128xf32>,
    return
  }
}

module attributes {stable_mosaic.version = 14 : i64} {
  func.func @_knn_body(%arg0: i32, %arg1: i32, %arg2: memref<1x128x3xf32, #tpu.memory_space<vmem>>, %arg3: memref<1x3x16384xf32, #tpu.memory_space<vmem>>, %arg4: memref<1x128x64xi32, #tpu.memory_space<vmem>>) attributes {dimension_semantics = [#tpu.dimension_semantics<arbitrary>, #tpu.dimension_semantics<arbitrary>], iteration_bounds = array<i64: 2, 8>, scalar_prefetch = 0 : i64, scratch_operands = 0 : i64, tpu.core_type = #tpu.core_type<tc>, window_params = [{transform_indices = @transform_0, window_bounds = array<i64: 1, 128, 3>}, {transform_indices = @transform_1, window_bounds = array<i64: 1, 3, 16384>}, {transform_indices = @transform_2, window_bounds = array<i64: 1, 128, 64>}]} {
    %get3A = arith.constant 0 : index
    %get3A_0 = arith.constant 0 : index
    %get3A_1 = arith.constant 0 : index
    %get3A_2 = vector.load %arg2[%get3A, %get3A_0, %get3A_1] : memref<1x128x3xf32, #tpu.memory_space<vmem>>, vector<1x128x3xf32>
    %get3A_3 = vector.shape_cast %get3A_2 : vector<1x128x3xf32> to vector<128x3xf32>
    %get3A_4 = arith.constant 0 : index
    %get3A_5 = arith.constant 0 : index
    %get3A_6 = arith.constant 0 : index
    %get3A_7 = vector.load %arg3[%get3A_4, %get3A_5, %get3A_6] : memref<1x3x16384xf32, #tpu.memory_space<vmem>>, vector<1x3x16384xf32>
    %get3A_8 = vector.shape_cast %get3A_7 : vector<1x3x16384xf32> to vector<3x16384xf32>
    %dot_general3A = arith.constant dense<0.000000e+00> : vector<128x16384xf32>
    %dot_general3A_9 = tpu.matmul %get3A_3, %get3A_8, %dot_general3A {dimension_numbers = #tpu.dot_dimension_numbers<[1], [0], [0], [1], [0, 0, 1, 1], [], []>, transpose_lhs_hint = false} : vector<128x3xf32>, vector<3x16384xf32>, vector<128x16384xf32> -> vector<128x16384xf32>
    %mul3A = arith.constant -2.000000e+00 : f32
    %mul3A_10 = vector.broadcast %mul3A : f32 to vector<128x16384xf32>
    %mul3A_11 = arith.mulf %mul3A_10, %dot_general3A_9 : vector<128x16384xf32>
    %slice3A = vector.extract_strided_slice %get3A_3 {offsets = [0, 0], sizes = [128, 1], strides = [1, 1]} : vector<128x3xf32> to vector<128x1xf32>
    %slice3A_12 = vector.extract_strided_slice %get3A_3 {offsets = [0, 1], sizes = [128, 1], strides = [1, 1]} : vector<128x3xf32> to vector<128x1xf32>
    %slice3A_13 = vector.extract_strided_slice %get3A_3 {offsets = [0, 2], sizes = [128, 1], strides = [1, 1]} : vector<128x3xf32> to vector<128x1xf32>
    %mul3A_14 = arith.mulf %slice3A, %slice3A : vector<128x1xf32>
    %mul3A_15 = arith.mulf %slice3A_12, %slice3A_12 : vector<128x1xf32>
    %add3A = arith.addf %mul3A_14, %mul3A_15 : vector<128x1xf32>
    %mul3A_16 = arith.mulf %slice3A_13, %slice3A_13 : vector<128x1xf32>
    %add3A_17 = arith.addf %add3A, %mul3A_16 : vector<128x1xf32>
    %add3A_18 = vector.broadcast %add3A_17 : vector<128x1xf32> to vector<128x16384xf32>
    %add3A_19 = arith.addf %mul3A_11, %add3A_18 : vector<128x16384xf32>
    %slice3A_20 = vector.extract_strided_slice %get3A_8 {offsets = [0, 0], sizes = [1, 16384], strides = [1, 1]} : vector<3x16384xf32> to vector<1x16384xf32>
    %slice3A_21 = vector.extract_strided_slice %get3A_8 {offsets = [1, 0], sizes = [1, 16384], strides = [1, 1]} : vector<3x16384xf32> to vector<1x16384xf32>
    %slice3A_22 = vector.extract_strided_slice %get3A_8 {offsets = [2, 0], sizes = [1, 16384], strides = [1, 1]} : vector<3x16384xf32> to vector<1x16384xf32>
    %mul3A_23 = arith.mulf %slice3A_20, %slice3A_20 : vector<1x16384xf32>
    %mul3A_24 = arith.mulf %slice3A_21, %slice3A_21 : vector<1x16384xf32>
    %add3A_25 = arith.addf %mul3A_23, %mul3A_24 : vector<1x16384xf32>
    %mul3A_26 = arith.mulf %slice3A_22, %slice3A_22 : vector<1x16384xf32>
    %add3A_27 = arith.addf %add3A_25, %mul3A_26 : vector<1x16384xf32>
    %add3A_28 = vector.broadcast %add3A_27 : vector<1x16384xf32> to vector<128x16384xf32>
    %add3A_29 = arith.addf %add3A_19, %add3A_28 : vector<128x16384xf32>
    %reshape3A = vector.shape_cast %add3A_29 : vector<128x16384xf32> to vector<128x16x1024xf32>
    %iota3A = tpu.iota {dimensions = array<i32: 1>} : vector<128x16x1024xi32>
    %mul3A_30 = arith.constant 1024 : i32
    %mul3A_31 = vector.broadcast %mul3A_30 : i32 to vector<128x16x1024xi32>
    %mul3A_32 = arith.muli %iota3A, %mul3A_31 : vector<128x16x1024xi32>
    %iota3A_33 = tpu.iota {dimensions = array<i32: 2>} : vector<128x16x1024xi32>
    %add3A_34 = arith.addi %mul3A_32, %iota3A_33 : vector<128x16x1024xi32>
    %broadcast_in_dim3A = arith.constant -1 : i32
    %broadcast_in_dim3A_35 = vector.broadcast %broadcast_in_dim3A : i32 to vector<128x1xi32>
    %broadcast_in_dim3A_36 = arith.constant 0 : i32
    %broadcast_in_dim3A_37 = vector.broadcast %broadcast_in_dim3A_36 : i32 to vector<128x64xi32>
    %scan3A = arith.constant 0 : i32
    %scan3A_38 = arith.constant 64 : i32
    %scan3A_39 = arith.addi %scan3A, %scan3A_38 : i32
    %scan3A_40 = arith.constant 1 : i32
    %scan3A_41:3 = scf.for %scan3A_48 = %scan3A to %scan3A_39 step %scan3A_40 iter_args(%scan3A_49 = %reshape3A, %scan3A_50 = %broadcast_in_dim3A_35, %scan3A_51 = %broadcast_in_dim3A_37) -> (vector<128x16x1024xf32>, vector<128x1xi32>, vector<128x64xi32>)  : i32 {
      %broadcast_in_dim3A_52 = vector.shape_cast %scan3A_50 : vector<128x1xi32> to vector<128x1x1xi32>
      %eq3A = vector.broadcast %broadcast_in_dim3A_52 : vector<128x1x1xi32> to vector<128x16x1024xi32>
      %eq3A_53 = arith.cmpi eq, %add3A_34, %eq3A : vector<128x16x1024xi32>
      %jit3A = arith.constant 3.000000e+38 : f32
      %broadcast_in_dim3A_54 = vector.broadcast %jit3A : f32 to vector<128x16x1024xf32>
      %select_n3A = arith.select %eq3A_53, %broadcast_in_dim3A_54, %scan3A_49 : vector<128x16x1024xi1>, vector<128x16x1024xf32>
      %reduce_min3A = arith.constant dense<0x7F800000> : vector<128x16xf32>
      %reduce_min3A_55 = vector.multi_reduction <minimumf>, %select_n3A, %reduce_min3A [2] : vector<128x16x1024xf32> to vector<128x16xf32>
      %broadcast_in_dim3A_56 = vector.shape_cast %reduce_min3A_55 : vector<128x16xf32> to vector<128x16x1xf32>
      %eq3A_57 = vector.broadcast %broadcast_in_dim3A_56 : vector<128x16x1xf32> to vector<128x16x1024xf32>
      %eq3A_58 = arith.cmpf oeq, %select_n3A, %eq3A_57 : vector<128x16x1024xf32>
      %jit3A_59 = arith.constant 16384 : i32
      %broadcast_in_dim3A_60 = vector.broadcast %jit3A_59 : i32 to vector<128x16x1024xi32>
      %select_n3A_61 = arith.select %eq3A_58, %add3A_34, %broadcast_in_dim3A_60 : vector<128x16x1024xi1>, vector<128x16x1024xi32>
      %reduce_min3A_62 = arith.constant dense<2147483647> : vector<128x16xi32>
      %reduce_min3A_63 = vector.multi_reduction <minsi>, %select_n3A_61, %reduce_min3A_62 [2] : vector<128x16x1024xi32> to vector<128x16xi32>
      %reduce_min3A_64 = arith.constant dense<0x7F800000> : vector<128xf32>
      %reduce_min3A_65 = vector.multi_reduction <minimumf>, %reduce_min3A_55, %reduce_min3A_64 [1] : vector<128x16xf32> to vector<128xf32>
      %broadcast_in_dim3A_66 = vector.shape_cast %reduce_min3A_65 : vector<128xf32> to vector<128x1xf32>
      %eq3A_67 = vector.broadcast %broadcast_in_dim3A_66 : vector<128x1xf32> to vector<128x16xf32>
      %eq3A_68 = arith.cmpf oeq, %reduce_min3A_55, %eq3A_67 : vector<128x16xf32>
      %jit3A_69 = arith.constant 16384 : i32
      %broadcast_in_dim3A_70 = vector.broadcast %jit3A_69 : i32 to vector<128x16xi32>
      %select_n3A_71 = arith.select %eq3A_68, %reduce_min3A_63, %broadcast_in_dim3A_70 : vector<128x16xi1>, vector<128x16xi32>
      %reduce_min3A_72 = arith.constant dense<2147483647> : vector<128xi32>
      %reduce_min3A_73 = vector.multi_reduction <minsi>, %select_n3A_71, %reduce_min3A_72 [1] : vector<128x16xi32> to vector<128xi32>
      %broadcast_in_dim3A_74 = vector.shape_cast %reduce_min3A_73 : vector<128xi32> to vector<128x1xi32>
      %iota3A_75 = tpu.iota {dimensions = array<i32: 1>} : vector<128x64xi32>
      %eq3A_76 = vector.broadcast %scan3A_48 : i32 to vector<128x64xi32>
      %eq3A_77 = arith.cmpi eq, %iota3A_75, %eq3A_76 : vector<128x64xi32>
      %broadcast_in_dim3A_78 = vector.shape_cast %broadcast_in_dim3A_74 : vector<128x1xi32> to vector<128x1xi32>
      %broadcast_in_dim3A_79 = vector.broadcast %broadcast_in_dim3A_78 : vector<128x1xi32> to vector<128x64xi32>
      %select_n3A_80 = arith.select %eq3A_77, %broadcast_in_dim3A_79, %scan3A_51 : vector<128x64xi1>, vector<128x64xi32>
      scf.yield %select_n3A, %broadcast_in_dim3A_74, %select_n3A_80 : vector<128x16x1024xf32>, vector<128x1xi32>, vector<128x64xi32>
    }
    %scan3A_42 = arith.constant 64 : i32
    %swap3A = arith.constant 0 : index
    %swap3A_43 = arith.constant 0 : index
    %swap3A_44 = arith.constant 0 : index
    %swap3A_45 = vector.load %arg4[%swap3A, %swap3A_43, %swap3A_44] : memref<1x128x64xi32, #tpu.memory_space<vmem>>, vector<1x128x64xi32>
    %swap3A_46 = vector.shape_cast %swap3A_45 : vector<1x128x64xi32> to vector<128x64xi32>
    %swap3A_47 = vector.shape_cast %scan3A_41#2 : vector<128x64xi32> to vector<1x128x64xi32>
    tpu.vector_store %arg4[%swap3A, %swap3A_43, %swap3A_44], %swap3A_47 {strides = array<i32>} : memref<1x128x64xi32, #tpu.memory_space<vmem>>, vector<1x128x64xi32>,
    return
  }
  func.func @transform_0(%arg0: i32, %arg1: i32) -> (i32, i32, i32) {
    %c0_i32 = arith.constant 0 : i32
    %c0_i32_0 = arith.constant 0 : i32
    return %arg0, %arg1, %c0_i32 : i32, i32, i32
  }
  func.func @transform_1(%arg0: i32, %arg1: i32) -> (i32, i32, i32) {
    %c0_i32 = arith.constant 0 : i32
    %c0_i32_0 = arith.constant 0 : i32
    %c0_i32_1 = arith.constant 0 : i32
    return %arg0, %c0_i32, %c0_i32_0 : i32, i32, i32
  }
  func.func @transform_2(%arg0: i32, %arg1: i32) -> (i32, i32, i32) {
    %c0_i32 = arith.constant 0 : i32
    %c0_i32_0 = arith.constant 0 : i32
    return %arg0, %arg1, %c0_i32 : i32, i32, i32
  }
}

</mosaic_0001>

<sc_bundles>
// kernel: kernel.5.cloned.1.call-start
scs
__scs_entry_jumppad:
0x0: {  	(pc) =	sbr.rel $0x88, $3  }
0x1: {  	(tag) =	ssettag $0x0;
	lr =	simm.s32 $0x1  }
0x2: {  	[smem:$0x3FA0] =	sst lr;
	_ =	strace $0xD0000000  }
0x3: {  	_ = 	snop  }
0x4: {  	_ = 	snop  }
0x5: {  	_ = 	snop  }
0x6: {  	_ = 	snop  }
0x7: {  	_ = 	snop  }
__scs_overlays_trampoline_lowered:
0x8: {  	[smem:$0x3FAF] =	sst s0  }
0x9: {  	[smem:$0x3FB0] =	sst s1  }
0xa: {  	[smem:$0x3FB1] =	sst s2  }
0xb: {  	[smem:$0x3FB2] =	sst s3  }
0xc: {  	[smem:$0x3FB3] =	sst s4  }
0xd: {  	[smem:$0x3FB4] =	sst s5  }
0xe: {  	[smem:$0x3FB5] =	sst s6  }
0xf: {  	[smem:$0x3FB6] =	sst s7  }
0x10: {  	[smem:$0x3FB7] =	sst s8  }
0x11: {  	[smem:$0x3FB8] =	sst s9;
	s0 =	simm.s32 @!p0 $0x0  }
0x12: {  	s1 =	sld [smem:$0x3F9E];
	s0 =	simm.s32 @p0 $0x1  }
0x13: {  	[smem:$0x3FB9] =	sst s0;
	s0 =	simm.s32 @!p1 $0x0  }
0x14: {  	s2 =	sld [smem:$0x3F9D];
	s0 =	simm.s32 @p1 $0x1  }
0x15: {  	[smem:$0x3FBA] =	sst s0;
	s0 =	simm.s32 @!p2 $0x0  }
0x16: {  	s3 =	sld [smem:$0x3FDB];
	s0 =	simm.s32 @p2 $0x1  }
0x17: {  	s4 =	simm.s32 $0x1BF5;
	[smem:$0x3FBC] =	sst s0  }
0x18: {  	s0 =	sld [smem:$0x3F9F];
	_ =	swait.ge [sflag:s4], $0x0  }
0x19: {  	s7 =	sld [smem:$0x3FA0]  }
0x1a: {  	s8 =	sadd.s32 $0xFFFFE003, lr  }
0x1b: {  	s9 =	sadd.s32 $0xFFFFFEF7, lr;
	s5 =	simm.s32 $0xFFFFFFFF;
	p2 =	slt.u32 s8, $0xFFFFF086  }
0x1c: {  	p1 =	slt.u32 s9, $0xF7A;
	s5 =	simm.s32 @!p2 $0x0  }
0x1d: {  	s5 =	simm.s32 @p1 $0x1;
	p0 =	seq.s32 s7, s2  }
0x1e: {  	s7 =	smul.u32 @!p0 $0xF7A, s2;
	p2 =	seq.s32 @!p0 s5, $0x0  }
0x1f: {  	s9 =	smul.u32 $0xF7A, s1;
	s8 =	simm.s32 @!p0 $0x1BF5;
	p2 =	por !p2, p0  }
0x20: {  	[sflag:s8] =	ssyncset.s32 @!p0 $0xFFFFF086;
	s6 =	sadd.s32 @!p0 s3, s7;
	s7 =	simm.s32 @!p0 $0x108  }
0x21: {  	s3 =	sadd.s32 s3, s9;
	s6 =	sadd.s32 @!p0 $0x88, s6;
	s7 =	simm.s32 @p2 $0x1082  }
0x22: {  	[simem:s7], [sflag:s8] =	dma.local @!p0 [hbm:s6], $0xF7A  }
0x23: {  	s9 =	sor.u32 $0xD0000000, s2;
	s6 =	simm.s32 $0x108;
	_ =	swait.ge @!p0 [sflag:s8], $0x0  }
0x24: {  	s3 =	sadd.s32 $0x88, s3;
	s6 =	simm.s32 @!p1 $0x1082;
	[sflag:s4] =	ssyncset.s32 $0xFFFFF086  }
0x25: {  	[simem:s6], [sflag:s4] =	dma.local [hbm:s3], $0xF7A  }
0x26: {  	[smem:$0x3FA0] =	sst s1;
	(tag) =	ssettag s2;
	_ =	strace s9  }
0x27: {  	s1 =	sld [smem:$0x3FB0]  }
0x28: {  	s2 =	sld [smem:$0x3FB1]  }
0x29: {  	s4 =	sld [smem:$0x3FB3]  }
0x2a: {  	p0 =	seq.s32 s5, $0x0;
	s5 =	sld [smem:$0x3FB4]  }
0x2b: {  	s6 =	sld [smem:$0x3FB5]  }
0x2c: {  	s7 =	sld [smem:$0x3FB6]  }
0x2d: {  	s3 =	simm.s32 $0x108;
	s8 =	sld [smem:$0x3FB7]  }
0x2e: {  	s3 =	simm.s32 @!p0 $0x1082;
	s9 =	sld [smem:$0x3FB8]  }
0x2f: {  	lr =	sadd.s32 s0, s3;
	s0 =	sld [smem:$0x3FAF]  }
0x30: {  	s3 =	sld [smem:$0x3FB2]  }
0x31: {  	[smem:$0x3FBB] =	sst s10  }
0x32: {  	s10 =	sld [smem:$0x3FB9];
	_ =	sdelay $0x3  }
0x33: {  	p0 =	seq.s32 s10, $0x1;
	s10 =	sld [smem:$0x3FBB];
	_ =	sdelay $0x3  }
0x34: {  	[smem:$0x3FBB] =	sst s10  }
0x35: {  	s10 =	sld [smem:$0x3FBA];
	_ =	sdelay $0x3  }
0x36: {  	p1 =	seq.s32 s10, $0x1;
	s10 =	sld [smem:$0x3FBB];
	_ =	sdelay $0x3  }
0x37: {  	[smem:$0x3FBB] =	sst s10  }
0x38: {  	s10 =	sld [smem:$0x3FBC]  }
0x39: {  	_ = 	snop;
	(pc) =	sbr.ind lr, $3  }
0x3a: {  	_ = 	snop  }
0x3b: {  	_ = 	snop  }
0x3c: {  	p2 =	seq.s32 s10, $0x1;
	s10 =	sld [smem:$0x3FBB]  }
0x3d: {  	_ =	shalt  }
0x3e: {  	_ =	shalt  }
0x3f: {  	_ =	shalt  }
0x40: {  	_ =	shalt  }
0x41: {  	_ =	shalt  }
0x42: {  	_ =	shalt  }
0x43: {  	_ =	shalt  }
0x44: {  	_ =	shalt  }
0x45: {  	_ =	shalt  }
0x46: {  	_ =	shalt  }
0x47: {  	_ =	shalt  }
0x48: {  	_ =	shalt  }
0x49: {  	_ =	shalt  }
0x4a: {  	_ =	shalt  }
0x4b: {  	_ =	shalt  }
0x4c: {  	_ =	shalt  }
0x4d: {  	_ =	shalt  }
0x4e: {  	_ =	shalt  }
0x4f: {  	_ =	shalt  }
0x50: {  	_ =	shalt  }
0x51: {  	_ =	shalt  }
0x52: {  	_ =	shalt  }
0x53: {  	_ =	shalt  }
0x54: {  	_ =	shalt  }
0x55: {  	_ =	shalt  }
0x56: {  	_ =	shalt  }
0x57: {  	_ =	shalt  }
0x58: {  	_ =	shalt  }
0x59: {  	_ =	shalt  }
0x5a: {  	_ =	shalt  }
0x5b: {  	_ =	shalt  }
0x5c: {  	_ =	shalt  }
0x5d: {  	_ =	shalt  }
0x5e: {  	_ =	shalt  }
0x5f: {  	_ =	shalt  }
0x60: {  	_ =	shalt  }
0x61: {  	_ =	shalt  }
0x62: {  	_ =	shalt  }
0x63: {  	_ =	shalt  }
0x64: {  	_ =	shalt  }
0x65: {  	_ =	shalt  }
0x66: {  	_ =	shalt  }
0x67: {  	_ =	shalt  }
0x68: {  	_ =	shalt  }
0x69: {  	_ =	shalt  }
0x6a: {  	_ =	shalt  }
0x6b: {  	_ =	shalt  }
0x6c: {  	_ =	shalt  }
0x6d: {  	_ =	shalt  }
0x6e: {  	_ =	shalt  }
0x6f: {  	_ =	shalt  }
0x70: {  	_ =	shalt  }
0x71: {  	_ =	shalt  }
0x72: {  	_ =	shalt  }
0x73: {  	_ =	shalt  }
0x74: {  	_ =	shalt  }
0x75: {  	_ =	shalt  }
0x76: {  	_ =	shalt  }
0x77: {  	_ =	shalt  }
0x78: {  	_ =	shalt  }
0x79: {  	_ =	shalt  }
0x7a: {  	_ =	shalt  }
0x7b: {  	_ =	shalt  }
0x7c: {  	_ =	shalt  }
0x7d: {  	_ =	shalt  }
0x7e: {  	_ =	shalt  }
0x7f: {  	_ =	shalt  }
0x80: {  	_ =	shalt  }
0x81: {  	_ =	shalt  }
0x82: {  	_ =	shalt  }
0x83: {  	_ =	shalt  }
0x84: {  	_ =	shalt  }
0x85: {  	_ =	shalt  }
0x86: {  	_ =	shalt  }
0x87: {  	_ =	shalt  }
.Lfunc_end0:
.L_simem_size_0:
called_computation_lowered:
.L_overlay_start_0:
0x88: {  	s2 =	sld [smem:$0x3FD9]  }
0x89: {  	s3 =	sld [smem:$0x3FFE];
	_ =	sdelay $0x1  }
0x8a: {  	s1 =	srdreg.scid  }
0x8b: {  	s0 =	sand.u32 $0x1, s1  }
0x8c: {  	s14 =	sshll.u32 s0, $0xA;
	s2 =	sadd.s32 s3, s2  }
0x8d: {  	s2 =	sadd.s32 s2, s14  }
0x8e: {  	[smem:$0x3FC7] =	sst s2  }
0x8f: {  	_ = 	snop  }
0x90: {  	s2 =	sld [smem:$0x3FD0];
	_ =	sdelay $0x2  }
0x91: {  	s15 =	simm.s32 $0xA;
	s4 =	simm.s32 $0x10  }
0x92: {  	[smem:s4], [sflag:s15] =	dma.local [hbm:s2], $0x1  }
0x93: {  	_ =	swait.eq [sflag:s15], $0x1  }
0x94: {  	[sflag:s15] =	ssyncset.done $0x0  }
0x95: {  	[sflag:s15] =	ssyncadd.s32 $0xFFFFFFFF  }
0x96: {  	s16 =	sld [smem:$0x10];
	(tm) =	ssettm $0x1  }
0x97: {  	s17 =	sld [smem:$0x3FFB];
	_ =	sdelay $0x3  }
0x98: {  	_ =	strace s17  }
0x99: {  	s3 =	sld [smem:$0x3FFC];
	_ =	sdelay $0x3  }
0x9a: {  	_ =	strace s3  }
0x9b: {  	s3 =	sld [smem:$0x3FFD];
	_ =	sdelay $0x3  }
0x9c: {  	_ =	strace s3  }
0x9d: {  	_ =	strace $0x8FFFFFFF  }
0x9e: {  	s18 =	sld [smem:$0x3FDB];
	_ =	sdelay $0x1  }
0x9f: {  	s19 =	simm.s32 $_scs_section_size  }
0xa0: {  	s5 =	simm.s32 $_size__tile_overlayer_lowered;
	s6 =	simm.s32 $_tile_overlayer_lowered  }
0xa1: {  	s22 =	simm.s32 $0x1BFF;
	s21 =	sshll.u32 s6, $0x1;
	s3 =	sadd.s32 s19, s18  }
0xa2: {  	s7 =	simm.s32 $0x0;
	s20 =	sshll.u32 s5, $0x1;
	s5 =	sadd.s32 s21, s3  }
0xa3: {  	[timem:s7], [sflag:s22] =	dma.local [hbm:s5], s20  }
0xa4: {  	_ =	swait.ge [sflag:s22], s20  }
0xa5: {  	s4 =	ssub.s32 $0x0, s20;
	[sflag:s22] =	ssyncset.done $0x0  }
0xa6: {  	[sflag:s22] =	ssyncadd.s32 s4;
	_ =	sdelay $0x1  }
0xa7: {  	s23 =	simm.s32 $0x1B8B  }
0xa8: {  	_ =	swait.ge [sflag:s23], $0x1  }
0xa9: {  	[sflag:s23] =	ssyncset.done $0x0  }
0xaa: {  	s25 =	simm.s32 $0x1B8E;
	s24 =	sld [smem:$0x3FFE];
	[sflag:s23] =	ssyncadd.s32 $0xFFFFFFFF  }
0xab: {  	s26 =	simm.s32 $execute0_lowered;
	[smem:$0x3FD2] =	sst s25  }
0xac: {  	s5 =	sshll.u32 s26, $0x1;
	_ =	strace $0x80000046;
	[dreg:$0x1] =	wrdreg $0xFFFFFFFF  }
0xad: {  	s28 =	simm.s32 $_size_execute0_lowered;
	s3 =	sadd.s32 s3, s5;
	[dreg:$0x0] =	wrdreg $0x0  }
0xae: {  	s5 =	sshll.u32 s28, $0x1;
	[dreg:$0x2] =	wrdreg s3  }
0xaf: {  	[dreg:$0x3] =	wrdreg s5  }
0xb0: {  	[dreg:$0x4] =	wrdreg $0xC0  }
0xb1: {  	_ =	task [dreg:s7], $0x5FFFF  }
0xb2: {  	[dreg:$0x1] =	wrdreg $0xFFFFFFFF  }
0xb3: {  	[dreg:$0x0] =	wrdreg $0x60  }
0xb4: {  	[dreg:$0x2] =	wrdreg s24  }
0xb5: {  	[dreg:$0x3] =	wrdreg s16  }
0xb6: {  	[dreg:$0x4] =	wrdreg $0x9  }
0xb7: {  	_ =	task.clear_ibuf [dreg:s7], $0x5FFFF;
	_ =	strace $0x90000046  }
0xb8: {  	s29 =	simm.s32 $0x9;
	_ =	strace $0x80000048  }
0xb9: {  	_ =	swait.ge [sflag:s29], $0x1  }
0xba: {  	[sflag:s29] =	ssyncadd.s32 $0xFFFFFFFF  }
0xbb: {  	_ =	strace $0x90000048  }
0xbc: {  	_ =	sfence  }
0xbd: {  	s30 =	sld [smem:$0x0];
	_ =	sdelay $0x2  }
0xbe: {  	s31 =	sshll.u32 s1, $0xD;
	s1 =	sshrl.u32 s1, $0x2  }
0xbf: {  	s3 =	sand.u32 $0x4000, s31;
	s1 =	sadd.s32 s1, s30  }
0xc0: {  	s0 =	sor.u32 s3, s0;
	s1 =	sshll.u32 s1, $0x11  }
0xc1: {  	s0 =	sor.u32 s1, s0  }
0xc2: {  	s0 =	sadd.s32 $0x8F2B, s0  }
0xc3: {  	[sflag:s0] =	ssyncadd.remote.s32 $0x1  }
0xc4: {  	_ =	sfence.sel $0xFFFF  }
0xc5: {  	[dreg:$0x0] =	wrdreg $0xFFFFFFFF;
	(pc) =	sbr.abs _section_cstart, $3  }
0xc6: {  	[dreg:$0x1] =	wrdreg $0xFFFFFFFF  }
0xc7: {  	_ =	task.clear_ibuf [dreg:s7], $0x2FFFF;
	_ =	strace $0x9FFFFFFF  }
0xc8: {  	(tm) =	ssettm $0x7FFFFFFF  }
0xc9: {  	_ =	shalt  }
tec
execute0_lowered:
.L_overlay_start_1:
0x0: {  	(tag) =	ssettag $0x1  }
0x1: {  	s9 =	rddreg [dreg:$0x0]  }
0x2: {  	s10 =	rddreg [dreg:$0x1]  }
0x3: {  	s0 =	rddreg [dreg:$0x2]  }
0x4: {  	s1 =	simm.s32 $0x0;
	s6 =	srdreg.scid;
	s2 =	stileid.u32  }
0x5: {  	s15 =	simm.s32 $0x2;
	s16 =	simm.s32 $0x80;
	s17 =	simm.s32 $0x2000  }
0x6: {  	s18 =	simm.s32 $0x2080;
	s19 =	simm.s32 $0x2100;
	s20 =	simm.s32 $0x2180  }
0x7: {  	s21 =	simm.s32 $0x2200;
	s22 =	simm.s32 $0x2280;
	s23 =	simm.s32 $0x1  }
0x8: {  	s24 =	simm.s32 $0x0;
	[smem:$0x7FF] =	sst s1;
	s3 =	sadd.s32 $0x6E00, s9  }
0x9: {  	s4 =	sadd.s32 $0x5E00, s9;
	s5 =	sadd.s32 $0x4E00, s9;
	s8 =	sand.u32 $0x1, s6  }
0xa: {  	s6 =	sadd.s32 $0x8200, s9;
	s11 =	sshll.u32 s2, $0xD;
	s12 =	sshll.u32 s8, $0xC  }
0xb: {  	s7 =	sadd.s32 $0x8000, s9;
	s31 =	ssub.s32 $0x2, s8;
	s11 =	sor.u32 s12, s11  }
0xc: {  	_ =	strace $0x80000047;
	s13 =	sshrl.u32 s31, $0x1;
	s11 =	sshrl.u32 s11, $0x3  }
0xd: {  	s8 =	sadd.s32 $0x7E00, s9;
	s12 =	ssub.s32 s31, s13;
	s14 =	sadd.s32 s11, s9  }
0xe: {  	s9 =	sadd.s32 s10, s11;
	s11 =	smax.u32 s12, $0x1;
	s10 =	sadd.s32 $0xE00, s14  }
0xf: {  	s12 =	sadd.s32 $0x10400, s14;
	s13 =	sadd.s32 $0xC400, s14;
	s14 =	sadd.s32 $0x8400, s14  }
.LBB2_1:
0x10: {  	[tilespmem:s1], [sflag:$0x2] =	stream.linear.gather [hbm4b:s9+s1], $0x1000, $0x38;
	[tilespmem:$0x2300] =	vst v63  }
0x11: {  	_ =	swait.ge [sflag:s15], $0x1000  }
0x12: {  	[sflag:s15] =	ssyncset.done $0x0  }
0x13: {  	s25 =	simm.s32 $0x1000;
	[sflag:s15] =	ssyncadd.s32 $0xFFFFF000  }
0x14: {  	[tilespmem:s25], [sflag:$0x2] =	stream.linear.gather [hbm4b:s10+s1], $0x1000, $0x38;
	[tilespmem:$0x2300] =	vst v63  }
0x15: {  	_ =	swait.ge [sflag:s15], $0x1000  }
0x16: {  	[sflag:s15] =	ssyncset.done $0x0  }
0x17: {  	s26 =	simm.s32 $0x0;
	s28 =	simm.s32 $0x0;
	[sflag:s15] =	ssyncadd.s32 $0xFFFFF000  }
.LBB2_2:
0x18: {  	[tilespmem:s17], [sflag:$0x1] =	stream.indirect.gather [hbm4b:s3+s16], $0x1, s26, s16, $0xb8;
	[tilespmem:$0x2300] =	vst v63  }
0x19: {  	_ = 	snop  }
0x1a: {  	[tilespmem:s18], [sflag:$0x1] =	stream.indirect.gather [hbm4b:s4+s16], $0x1, s26, s16, $0xb8;
	[tilespmem:$0x2300] =	vst v63  }
0x1b: {  	_ = 	snop  }
0x1c: {  	[tilespmem:s19], [sflag:$0x1] =	stream.indirect.gather [hbm4b:s5+s16], $0x1, s26, s16, $0xb8;
	[tilespmem:$0x2300] =	vst v63  }
0x1d: {  	_ = 	snop  }
0x1e: {  	[tilespmem:s20], [sflag:$0x1] =	stream.indirect.gather [hbm4b:s6+s16], $0x1, s25, s16, $0xb8;
	[tilespmem:$0x2300] =	vst v63  }
0x1f: {  	_ = 	snop  }
0x20: {  	[tilespmem:s21], [sflag:$0x1] =	stream.indirect.gather [hbm4b:s7+s16], $0x1, s25, s16, $0xb8;
	[tilespmem:$0x2300] =	vst v63  }
0x21: {  	_ = 	snop  }
0x22: {  	[tilespmem:s22], [sflag:$0x1] =	stream.indirect.gather [hbm4b:s8+s16], $0x1, s25, s16, $0xb8;
	[tilespmem:$0x2300] =	vst v63  }
0x23: {  	_ =	swait.ge [sflag:s23], $0x80  }
0x24: {  	[sflag:s23] =	ssyncset.done $0x0  }
0x25: {  	[sflag:s23] =	ssyncadd.s32 $0xFFFFFF80  }
0x26: {  	_ =	swait.ge [sflag:s23], $0x80  }
0x27: {  	[sflag:s23] =	ssyncset.done $0x0  }
0x28: {  	[sflag:s23] =	ssyncadd.s32 $0xFFFFFF80  }
0x29: {  	_ =	swait.ge [sflag:s23], $0x80  }
0x2a: {  	[sflag:s23] =	ssyncset.done $0x0  }
0x2b: {  	[sflag:s23] =	ssyncadd.s32 $0xFFFFFF80  }
0x2c: {  	_ =	swait.ge [sflag:s23], $0x80  }
0x2d: {  	[sflag:s23] =	ssyncset.done $0x0  }
0x2e: {  	[sflag:s23] =	ssyncadd.s32 $0xFFFFFF80  }
0x2f: {  	_ =	swait.ge [sflag:s23], $0x80  }
0x30: {  	[sflag:s23] =	ssyncset.done $0x0  }
0x31: {  	[sflag:s23] =	ssyncadd.s32 $0xFFFFFF80  }
0x32: {  	_ =	swait.ge [sflag:s23], $0x80  }
0x33: {  	[sflag:s23] =	ssyncset.done $0x0  }
0x34: {  	[sflag:s23] =	ssyncadd.s32 $0xFFFFFF80  }
0x35: {  	v0 =	vld [tilespmem:$0x2000]  }
0x36: {  	v1 =	vld [tilespmem:$0x2180]  }
0x37: {  	v2 =	vld [tilespmem:$0x2080]  }
0x38: {  	v3 =	vld [tilespmem:$0x2200]  }
0x39: {  	v4 =	vld [tilespmem:$0x2100]  }
0x3a: {  	v5 =	vld [tilespmem:$0x2280]  }
0x3b: {  	v6 =	vld [tilespmem:$0x2010]  }
0x3c: {  	v7 =	vld [tilespmem:$0x2190]  }
0x3d: {  	v8 =	vld [tilespmem:$0x2090]  }
0x3e: {  	v9 =	vld [tilespmem:$0x2210]  }
0x3f: {  	v10 =	vld [tilespmem:$0x2110]  }
0x40: {  	v11 =	vld [tilespmem:$0x2290]  }
0x41: {  	v12 =	vld [tilespmem:$0x2020]  }
0x42: {  	v13 =	vld [tilespmem:$0x21A0]  }
0x43: {  	v14 =	vld [tilespmem:$0x20A0]  }
0x44: {  	v15 =	vld [tilespmem:$0x2220]  }
0x45: {  	v16 =	vld [tilespmem:$0x2120]  }
0x46: {  	v17 =	vld [tilespmem:$0x22A0]  }
0x47: {  	v18 =	vld [tilespmem:$0x2030]  }
0x48: {  	v19 =	vld [tilespmem:$0x21B0]  }
0x49: {  	v20 =	vld [tilespmem:$0x20B0]  }
0x4a: {  	v21 =	vld [tilespmem:$0x2230]  }
0x4b: {  	v22 =	vld [tilespmem:$0x2130]  }
0x4c: {  	v23 =	vld [tilespmem:$0x22B0]  }
0x4d: {  	v24 =	vld [tilespmem:$0x2040]  }
0x4e: {  	v25 =	vld [tilespmem:$0x21C0]  }
0x4f: {  	v26 =	vld [tilespmem:$0x20C0]  }
0x50: {  	v27 =	vld [tilespmem:$0x2240]  }
0x51: {  	v28 =	vld [tilespmem:$0x2140]  }
0x52: {  	v59 =	vld [tilespmem:$0x22C0];
	v0 =	vsub.f32 v0, v1  }
0x53: {  	v60 =	vld [tilespmem:$0x2050];
	v2 =	vsub.f32 v2, v3  }
0x54: {  	v62 =	vld [tilespmem:$0x21D0];
	v61 =	vsub.f32 v4, v5;
	[tilespmem:$0x2000] =	vst v0  }
0x55: {  	v29 =	vld [tilespmem:$0x20D0];
	v63 =	vsub.f32 v6, v7;
	[tilespmem:$0x2080] =	vst v2  }
0x56: {  	v31 =	vld [tilespmem:$0x2250];
	v30 =	vsub.f32 v8, v9;
	[tilespmem:$0x2100] =	vst v61  }
0x57: {  	v33 =	vld [tilespmem:$0x2150];
	v32 =	vsub.f32 v10, v11;
	[tilespmem:$0x2010] =	vst v63  }
0x58: {  	v35 =	vld [tilespmem:$0x22D0];
	v34 =	vsub.f32 v12, v13;
	[tilespmem:$0x2090] =	vst v30  }
0x59: {  	v37 =	vld [tilespmem:$0x2060];
	v36 =	vsub.f32 v14, v15;
	[tilespmem:$0x2110] =	vst v32  }
0x5a: {  	v39 =	vld [tilespmem:$0x21E0];
	v38 =	vsub.f32 v16, v17;
	[tilespmem:$0x2020] =	vst v34  }
0x5b: {  	v41 =	vld [tilespmem:$0x20E0];
	v40 =	vsub.f32 v18, v19;
	[tilespmem:$0x20A0] =	vst v36  }
0x5c: {  	v43 =	vld [tilespmem:$0x2260];
	v42 =	vsub.f32 v20, v21;
	[tilespmem:$0x2120] =	vst v38  }
0x5d: {  	v45 =	vld [tilespmem:$0x2160];
	v44 =	vsub.f32 v22, v23;
	[tilespmem:$0x2030] =	vst v40  }
0x5e: {  	v47 =	vld [tilespmem:$0x22E0];
	v46 =	vsub.f32 v24, v25;
	[tilespmem:$0x20B0] =	vst v42  }
0x5f: {  	v49 =	vld [tilespmem:$0x2070];
	v48 =	vsub.f32 v26, v27;
	[tilespmem:$0x2130] =	vst v44  }
0x60: {  	v51 =	vld [tilespmem:$0x21F0];
	v50 =	vsub.f32 v28, v59;
	[tilespmem:$0x2040] =	vst v46  }
0x61: {  	v53 =	vld [tilespmem:$0x20F0];
	v52 =	vsub.f32 v60, v62;
	[tilespmem:$0x20C0] =	vst v48  }
0x62: {  	v55 =	vld [tilespmem:$0x2270];
	v54 =	vsub.f32 v29, v31;
	[tilespmem:$0x2140] =	vst v50  }
0x63: {  	v57 =	vld [tilespmem:$0x2170];
	v56 =	vsub.f32 v33, v35;
	[tilespmem:$0x2050] =	vst v52  }
0x64: {  	v58 =	vsub.f32 v37, v39;
	v59 =	vld [tilespmem:$0x22F0];
	[tilespmem:$0x20D0] =	vst v54  }
0x65: {  	v60 =	vsub.f32 v41, v43;
	[tilespmem:$0x2150] =	vst v56  }
0x66: {  	v1 =	vsub.f32 v49, v51;
	[tilespmem:$0x2060] =	vst v58  }
0x67: {  	v62 =	vsub.f32 v53, v55;
	[tilespmem:$0x20E0] =	vst v60  }
0x68: {  	v61 =	vsub.f32 v45, v47;
	[tilespmem:$0x2070] =	vst v1  }
0x69: {  	[tilespmem:$0x20F0] =	vst v62;
	v63 =	vsub.f32 v57, v59  }
0x6a: {  	[tilespmem:$0x2160] =	vst v61  }
0x6b: {  	s29 =	sadd.s32 s28, s14;
	[tilespmem:$0x2170] =	vst v63  }
0x6c: {  	[hbm4b:s29+s1] =	stream.linear.scatter [tilespmem:s17], [sflag:$0x2], $0x80, $0x38;
	[tilespmem:$0x2300] =	vst v63  }
0x6d: {  	_ =	swait.ge [sflag:s15], $0x80  }
0x6e: {  	[sflag:s15] =	ssyncset.done $0x0  }
0x6f: {  	s30 =	sadd.s32 s28, s13;
	[sflag:s15] =	ssyncadd.s32 $0xFFFFFF80  }
0x70: {  	[hbm4b:s30+s1] =	stream.linear.scatter [tilespmem:s18], [sflag:$0x2], $0x80, $0x38;
	[tilespmem:$0x2300] =	vst v63  }
0x71: {  	_ =	swait.ge [sflag:s15], $0x80  }
0x72: {  	p0 =	sne.s32 s28, $0x1F0;
	[sflag:s15] =	ssyncset.done $0x0  }
.Ltmp0:
0x73: {  	s31 =	sadd.s32 s28, s12;
	[sflag:s15] =	ssyncadd.s32 $0xFFFFFF80;
	(pc) =	sbr.rel @p0 .LBB2_2-.Ltmp0, $4  }
0x74: {  	[hbm4b:s31+s1] =	stream.linear.scatter [tilespmem:s19], [sflag:$0x2], $0x80, $0x38;
	[tilespmem:$0x2300] =	vst v63  }
0x75: {  	_ =	swait.ge [sflag:s15], $0x80  }
0x76: {  	s28 =	sadd.s32 $0x10, s28;
	[sflag:s15] =	ssyncset.done $0x0  }
0x77: {  	s26 =	sadd.s32 $0x80, s26;
	s25 =	sadd.s32 $0x80, s25;
	[sflag:s15] =	ssyncadd.s32 $0xFFFFFF80  }
0x78: {  	s24 =	sadd.s32 $0x1, s24  }
0x79: {  	p0 =	sne.s32 s24, s11  }
.Ltmp1:
0x7a: {  	_ = 	snop;
	(pc) =	sbr.rel @p0 .LBB2_1-.Ltmp1, $1  }
0x7b: {  	_ =	sdelay $0x3  }
0x7c: {  	_ =	sfence.sel $0x180000  }
0x7d: {  	[bflag:$0x0] =	sbarrier.arrive $0xFFFF  }
0x7e: {  	p0 =	sne.s32 s2, $0x0;
	_ =	strace $0x90000047  }
0x7f: {  	s0 =	sadd.s32 @!p0 $0x100000, s0;
	[bflag:$0x2] =	sbarrier.arrive $0xFFFF  }
0x80: {  	[sflag:s0] =	ssyncadd.tile.s32 @!p0 $0x1;
	_ =	shalt  }
.Lfunc_end2:
_tile_overlayer_lowered:
.L_overlay_start_2:
0x81: {  	(tag) =	ssettag $0x2  }
0x82: {  	s0 =	rddreg [dreg:$0x0];
	s2 =	stileid.u32  }
0x83: {  	s1 =	rddreg [dreg:$0x1];
	p0 =	sne.s32 s2, $0x0  }
0x84: {  	s3 =	rddreg [dreg:$0x2];
	[bflag:$0x3] =	sbarrier.arrive $0xFFFF;
	s2 =	simm.s32 @!p0 $0x1C02  }
0x85: {  	[timem:s3], [sflag:s2] =	dma.local @!p0 [hbm:s0], s1  }
0x86: {  	s0 =	simm.s32 @!p0 $0x2  }
0x87: {  	_ =	swait.ge @!p0 [sflag:s0], s1  }
0x88: {  	s1 =	ssub.s32 @!p0 $0x0, s1;
	[sflag:s0] =	ssyncset.done @!p0 $0x0  }
0x89: {  	[sflag:s0] =	ssyncadd.s32 @!p0 s1  }
0x8a: {  	[bflag:$0x3] =	sbarrier.arrive $0xFFFF  }
0x8b: {  	_ =	shalt  }

</sc_bundles>
